<compile_context>
chip_gen: v7x
topology: tpu7x:2x2x1
jax: 0.10.2.dev20260603
libtpu: 0.0.44.dev20260713+nightly
codegen_flags: <defaults>
</compile_context>

<pallas_src>
import functools

import jax
import jax.numpy as jnp
import numpy as np
from jax import lax
from jax.experimental import pallas as pl
from jax.experimental.pallas import tpu as pltpu
from jax.experimental.pallas import tpu_sc as plsc

NUM_BUCKETS = 32
NUM_HEADS = 16
Q = 2048
K = 2048
TBL_W = 4096
T128_W = 3968
OFF = 2040
OFF128 = 1920


def _build128_kernel(embT_ref, out_ref, t8_ref):
    s = lax.broadcasted_iota(jnp.int32, (8, TBL_W), 0)
    x = lax.broadcasted_iota(jnp.int32, (8, TBL_W), 1)
    d = x - OFF - s
    n = -d
    ret = jnp.where(n < 0, 16, 0)
    n = jnp.abs(n)
    is_small = n < 8
    n_safe = jnp.maximum(n, 1).astype(jnp.float32)
    val = 8 + (jnp.log(n_safe / 8) / np.log(128 / 8) * 8).astype(jnp.int32)
    val = jnp.minimum(val, 15)
    b = ret + jnp.where(is_small, n, val)
    acc = jnp.zeros((8, TBL_W), jnp.float32)
    for j in range(NUM_BUCKETS):
        acc = acc + jnp.where(b == j, embT_ref[0, 0, j], 0.0)
    t8_ref[...] = acc
    for g in range(16):
        out_ref[0, 8 * g:8 * g + 8, :] = t8_ref[:, 120 - 8 * g:120 - 8 * g + T128_W]


def _sc_materialize(t128):
    mesh = plsc.VectorSubcoreMesh(core_axis_name="c", subcore_axis_name="s")

    @functools.partial(
        pl.kernel,
        out_type=jax.ShapeDtypeStruct((NUM_HEADS, Q, K), jnp.float32),
        mesh=mesh,
        scratch_types=[
            pltpu.VMEM_SHARED((2, 128, T128_W), jnp.float32),
            pltpu.SemaphoreType.DMA,
        ],
    )
    def k(t128_hbm, out_hbm, shared, sem):
        core = lax.axis_index("c")
        sid = lax.axis_index("s")
        for i in range(NUM_HEADS // 2):
            h = core * (NUM_HEADS // 2) + i
            buf = i % 2

            @pl.when(sid == 0)
            def _stage():
                pltpu.sync_copy(t128_hbm.at[h], shared.at[buf])

            plsc.subcore_barrier()
            start = OFF128 - 128 * sid
            pltpu.sync_copy(
                shared.at[buf, :, pl.ds(start, K)],
                out_hbm.at[h, pl.ds(128 * sid, 128), :],
            )
            plsc.subcore_barrier()

    return k(t128)


def kernel(embedding, query_length, key_length):
    del query_length, key_length
    embT = embedding.T.reshape(NUM_HEADS, 1, NUM_BUCKETS)
    t128 = pl.pallas_call(
        _build128_kernel,
        grid=(NUM_HEADS,),
        in_specs=[pl.BlockSpec((1, 1, NUM_BUCKETS), lambda h: (h, 0, 0))],
        out_specs=pl.BlockSpec((1, 128, T128_W), lambda h: (h, 0, 0)),
        out_shape=jax.ShapeDtypeStruct((NUM_HEADS, 128, T128_W), jnp.float32),
        scratch_shapes=[pltpu.VMEM((8, TBL_W), jnp.float32)],
    )(embT)
    out = _sc_materialize(t128)
    return out[None]

# --- scband reference (transcript-rebuilt; emitter-appended) ---
"""Pipeline reference for scband-position-bias-embedding-72705206386710 (READ-ONLY COPY).

The authoritative reference and input builder live on the scoring server;
editing this copy changes nothing except your own understanding.
"""

import jax, jax.numpy as jnp
import numpy as np

NUM_BUCKETS = 32
NUM_HEADS = 16
MAX_DISTANCE = 128
BIDIRECTIONAL = True
QUERY_LENGTH = 2048
KEY_LENGTH = 2048


def _position_bucket(query_length, key_length, num_buckets, max_distance, bidirectional):
    # T5-style binned relative position bucket.
    context_position = jnp.arange(query_length, dtype=jnp.int32)[:, None]
    memory_position = jnp.arange(key_length, dtype=jnp.int32)[None, :]
    relative_position = memory_position - context_position  # [q, k]
    ret = jnp.zeros_like(relative_position)
    n = -relative_position
    if bidirectional:
        num_buckets = num_buckets // 2
        ret = ret + (n < 0).astype(jnp.int32) * num_buckets
        n = jnp.abs(n)
    else:
        n = jnp.maximum(n, 0)
    max_exact = num_buckets // 2
    is_small = n < max_exact
    n_safe = jnp.maximum(n, 1).astype(jnp.float32)
    val_if_large = max_exact + (
        jnp.log(n_safe / max_exact) / np.log(max_distance / max_exact)
        * (num_buckets - max_exact)
    ).astype(jnp.int32)
    val_if_large = jnp.minimum(val_if_large, num_buckets - 1)
    ret = ret + jnp.where(is_small, n, val_if_large)
    return ret


def setup_inputs(seed: int = 0):
    key = jax.random.key(seed)
    embedding = jax.random.normal(key, (NUM_BUCKETS, NUM_HEADS), dtype=jnp.float32) * 0.02
    return {"embedding": embedding, "query_length": 2048, "key_length": 2048}


def reference(embedding, query_length, key_length):
    length_zero = (jnp.asarray(query_length, dtype=jnp.int32) * 0
                   + jnp.asarray(key_length, dtype=jnp.int32) * 0)
    bucket = _position_bucket(QUERY_LENGTH, KEY_LENGTH, NUM_BUCKETS, MAX_DISTANCE, BIDIRECTIONAL)  # [q, k] int32
    bucket = bucket + length_zero
    values = jnp.take(embedding, bucket, axis=0)  # [q, k, H] gather from embedding table
    values = jnp.transpose(values, (2, 0, 1))[None, ...]  # [1, H, q, k]
    return values

if __name__ == "__main__":
    import jax
    _d = setup_inputs()
    print(jax.jit(kernel)(*tuple(_d.values())))

</pallas_src>

<mosaic_0001>
#map = affine_map<(d0, d1) -> (0, 0, 0)>
module attributes {stable_mosaic.version = 14 : i64} {
  func.func @k(%arg0: i32, %arg1: i32, %arg2: memref<16x128x3968xf32, #tpu.memory_space<hbm>>, %arg3: memref<16x2048x2048xf32, #tpu.memory_space<hbm>>, %arg4: memref<2x128x3968xf32, #tpu.memory_space<vmem_shared>>, %arg5: memref<!tpu.dma_semaphore, #tpu.memory_space<semaphore_mem>>) attributes {dimension_semantics = [#tpu.dimension_semantics<core_parallel>, #tpu.dimension_semantics<subcore_parallel>], iteration_bounds = array<i64: 2, 16>, scalar_prefetch = 0 : i64, scratch_operands = 2 : i64, tpu.core_type = #tpu.core_type<sc_vector_subcore>, window_params = [{transform_indices = #map}, {transform_indices = #map}]} {
    %mul3A = arith.constant 8 : i32
    %mul3A_0 = arith.muli %arg0, %mul3A : i32
    %add3A = arith.constant 0 : i32
    %add3A_1 = arith.addi %mul3A_0, %add3A : i32
    %eq3A = arith.constant 0 : i32
    %eq3A_2 = arith.cmpi eq, %arg1, %eq3A : i32
    %convert_element_type3A = arith.extui %eq3A_2 : i1 to i32
    %cond3A = arith.constant 0 : i32
    %cond3A_3 = arith.cmpi ne, %convert_element_type3A, %cond3A : i32
    scf.if %cond3A_3 {
      %run_scoped3A_136 = arith.constant 0 : i32
      "tpu.region"() ({
        %run_scoped3A_137 = tpu.sem_alloc : memref<!tpu.dma_semaphore, #tpu.memory_space<semaphore_mem>>
        %dma_start3A = arith.constant 0 : i32
        %dma_start3A_138 = arith.constant 0 : i32
        %dma_start3A_139 = tpu.memref_slice %arg4[%run_scoped3A_136, %dma_start3A, %dma_start3A_138] : memref<2x128x3968xf32, #tpu.memory_space<vmem_shared>> -> memref<1x128x3968xf32, #tpu.memory_space<vmem_shared>>
        %dma_start3A_140 = tpu.memref_squeeze %dma_start3A_139 : memref<1x128x3968xf32, #tpu.memory_space<vmem_shared>> -> memref<128x3968xf32, #tpu.memory_space<vmem_shared>>
        %dma_start3A_141 = arith.constant 0 : i32
        %dma_start3A_142 = arith.constant 0 : i32
        %dma_start3A_143 = tpu.memref_slice %arg2[%add3A_1, %dma_start3A_141, %dma_start3A_142] : memref<16x128x3968xf32, #tpu.memory_space<hbm>> -> memref<1x128x3968xf32, #tpu.memory_space<hbm>>
        %dma_start3A_144 = tpu.memref_squeeze %dma_start3A_143 : memref<1x128x3968xf32, #tpu.memory_space<hbm>> -> memref<128x3968xf32, #tpu.memory_space<hbm>>
        tpu.enqueue_dma source(%dma_start3A_144 : memref<128x3968xf32, #tpu.memory_space<hbm>>) target(%dma_start3A_140 : memref<128x3968xf32, #tpu.memory_space<vmem_shared>>) target_semaphore(%run_scoped3A_137 : memref<!tpu.dma_semaphore, #tpu.memory_space<semaphore_mem>>)
        %dma_wait3A = arith.constant 0 : i32
        %dma_wait3A_145 = arith.constant 0 : i32
        %dma_wait3A_146 = tpu.memref_slice %arg4[%run_scoped3A_136, %dma_wait3A, %dma_wait3A_145] : memref<2x128x3968xf32, #tpu.memory_space<vmem_shared>> -> memref<1x128x3968xf32, #tpu.memory_space<vmem_shared>>
        %dma_wait3A_147 = tpu.memref_squeeze %dma_wait3A_146 : memref<1x128x3968xf32, #tpu.memory_space<vmem_shared>> -> memref<128x3968xf32, #tpu.memory_space<vmem_shared>>
        %dma_wait3A_148 = arith.constant 0 : i32
        %dma_wait3A_149 = arith.constant 0 : i32
        %dma_wait3A_150 = tpu.memref_slice %arg2[%add3A_1, %dma_wait3A_148, %dma_wait3A_149] : memref<16x128x3968xf32, #tpu.memory_space<hbm>> -> memref<1x128x3968xf32, #tpu.memory_space<hbm>>
        %dma_wait3A_151 = tpu.memref_squeeze %dma_wait3A_150 : memref<1x128x3968xf32, #tpu.memory_space<hbm>> -> memref<128x3968xf32, #tpu.memory_space<hbm>>
        tpu.wait_dma2 semaphore(%run_scoped3A_137 : memref<!tpu.dma_semaphore, #tpu.memory_space<semaphore_mem>>) src(%dma_wait3A_151 : memref<128x3968xf32, #tpu.memory_space<hbm>>) dst(%dma_wait3A_147 : memref<128x3968xf32, #tpu.memory_space<vmem_shared>>)
        tpu.yield
      }) : () -> ()
    } else {
    }
    %barrier3A = arith.constant 0 : index
    tpu.barrier barrier_id(%barrier3A)
    %mul3A_4 = arith.constant 128 : i32
    %mul3A_5 = arith.muli %mul3A_4, %arg1 : i32
    %sub3A = arith.constant 1920 : i32
    %sub3A_6 = arith.subi %sub3A, %mul3A_5 : i32
    %mul3A_7 = arith.constant 128 : i32
    %mul3A_8 = arith.muli %mul3A_7, %arg1 : i32
    %run_scoped3A = arith.constant 0 : i32
    "tpu.region"() ({
      %run_scoped3A_136 = tpu.sem_alloc : memref<!tpu.dma_semaphore, #tpu.memory_space<semaphore_mem>>
      %dma_start3A = arith.constant 0 : i32
      %dma_start3A_137 = tpu.memref_slice %arg3[%add3A_1, %mul3A_8, %dma_start3A] : memref<16x2048x2048xf32, #tpu.memory_space<hbm>> -> memref<1x128x2048xf32, #tpu.memory_space<hbm>>
      %dma_start3A_138 = tpu.memref_squeeze %dma_start3A_137 : memref<1x128x2048xf32, #tpu.memory_space<hbm>> -> memref<128x2048xf32, #tpu.memory_space<hbm>>
      %dma_start3A_139 = arith.constant 0 : i32
      %dma_start3A_140 = tpu.memref_slice %arg4[%run_scoped3A, %dma_start3A_139, %sub3A_6] : memref<2x128x3968xf32, #tpu.memory_space<vmem_shared>> -> memref<1x128x2048xf32, #tpu.memory_space<vmem_shared>>
      %dma_start3A_141 = tpu.memref_squeeze %dma_start3A_140 : memref<1x128x2048xf32, #tpu.memory_space<vmem_shared>> -> memref<128x2048xf32, #tpu.memory_space<vmem_shared>>
      tpu.enqueue_dma source(%dma_start3A_141 : memref<128x2048xf32, #tpu.memory_space<vmem_shared>>) target(%dma_start3A_138 : memref<128x2048xf32, #tpu.memory_space<hbm>>) target_semaphore(%run_scoped3A_136 : memref<!tpu.dma_semaphore, #tpu.memory_space<semaphore_mem>>)
      %dma_wait3A = arith.constant 0 : i32
      %dma_wait3A_142 = tpu.memref_slice %arg3[%add3A_1, %mul3A_8, %dma_wait3A] : memref<16x2048x2048xf32, #tpu.memory_space<hbm>> -> memref<1x128x2048xf32, #tpu.memory_space<hbm>>
      %dma_wait3A_143 = tpu.memref_squeeze %dma_wait3A_142 : memref<1x128x2048xf32, #tpu.memory_space<hbm>> -> memref<128x2048xf32, #tpu.memory_space<hbm>>
      %dma_wait3A_144 = arith.constant 0 : i32
      %dma_wait3A_145 = tpu.memref_slice %arg4[%run_scoped3A, %dma_wait3A_144, %sub3A_6] : memref<2x128x3968xf32, #tpu.memory_space<vmem_shared>> -> memref<1x128x2048xf32, #tpu.memory_space<vmem_shared>>
      %dma_wait3A_146 = tpu.memref_squeeze %dma_wait3A_145 : memref<1x128x2048xf32, #tpu.memory_space<vmem_shared>> -> memref<128x2048xf32, #tpu.memory_space<vmem_shared>>
      tpu.wait_dma2 semaphore(%run_scoped3A_136 : memref<!tpu.dma_semaphore, #tpu.memory_space<semaphore_mem>>) src(%dma_wait3A_146 : memref<128x2048xf32, #tpu.memory_space<vmem_shared>>) dst(%dma_wait3A_143 : memref<128x2048xf32, #tpu.memory_space<hbm>>)
      tpu.yield
    }) : () -> ()
    %barrier3A_9 = arith.constant 0 : index
    tpu.barrier barrier_id(%barrier3A_9)
    %mul3A_10 = arith.constant 8 : i32
    %mul3A_11 = arith.muli %arg0, %mul3A_10 : i32
    %add3A_12 = arith.constant 1 : i32
    %add3A_13 = arith.addi %mul3A_11, %add3A_12 : i32
    %eq3A_14 = arith.constant 0 : i32
    %eq3A_15 = arith.cmpi eq, %arg1, %eq3A_14 : i32
    %convert_element_type3A_16 = arith.extui %eq3A_15 : i1 to i32
    %cond3A_17 = arith.constant 0 : i32
    %cond3A_18 = arith.cmpi ne, %convert_element_type3A_16, %cond3A_17 : i32
    scf.if %cond3A_18 {
      %run_scoped3A_136 = arith.constant 1 : i32
      "tpu.region"() ({
        %run_scoped3A_137 = tpu.sem_alloc : memref<!tpu.dma_semaphore, #tpu.memory_space<semaphore_mem>>
        %dma_start3A = arith.constant 0 : i32
        %dma_start3A_138 = arith.constant 0 : i32
        %dma_start3A_139 = tpu.memref_slice %arg4[%run_scoped3A_136, %dma_start3A, %dma_start3A_138] : memref<2x128x3968xf32, #tpu.memory_space<vmem_shared>> -> memref<1x128x3968xf32, #tpu.memory_space<vmem_shared>>
        %dma_start3A_140 = tpu.memref_squeeze %dma_start3A_139 : memref<1x128x3968xf32, #tpu.memory_space<vmem_shared>> -> memref<128x3968xf32, #tpu.memory_space<vmem_shared>>
        %dma_start3A_141 = arith.constant 0 : i32
        %dma_start3A_142 = arith.constant 0 : i32
        %dma_start3A_143 = tpu.memref_slice %arg2[%add3A_13, %dma_start3A_141, %dma_start3A_142] : memref<16x128x3968xf32, #tpu.memory_space<hbm>> -> memref<1x128x3968xf32, #tpu.memory_space<hbm>>
        %dma_start3A_144 = tpu.memref_squeeze %dma_start3A_143 : memref<1x128x3968xf32, #tpu.memory_space<hbm>> -> memref<128x3968xf32, #tpu.memory_space<hbm>>
        tpu.enqueue_dma source(%dma_start3A_144 : memref<128x3968xf32, #tpu.memory_space<hbm>>) target(%dma_start3A_140 : memref<128x3968xf32, #tpu.memory_space<vmem_shared>>) target_semaphore(%run_scoped3A_137 : memref<!tpu.dma_semaphore, #tpu.memory_space<semaphore_mem>>)
        %dma_wait3A = arith.constant 0 : i32
        %dma_wait3A_145 = arith.constant 0 : i32
        %dma_wait3A_146 = tpu.memref_slice %arg4[%run_scoped3A_136, %dma_wait3A, %dma_wait3A_145] : memref<2x128x3968xf32, #tpu.memory_space<vmem_shared>> -> memref<1x128x3968xf32, #tpu.memory_space<vmem_shared>>
        %dma_wait3A_147 = tpu.memref_squeeze %dma_wait3A_146 : memref<1x128x3968xf32, #tpu.memory_space<vmem_shared>> -> memref<128x3968xf32, #tpu.memory_space<vmem_shared>>
        %dma_wait3A_148 = arith.constant 0 : i32
        %dma_wait3A_149 = arith.constant 0 : i32
        %dma_wait3A_150 = tpu.memref_slice %arg2[%add3A_13, %dma_wait3A_148, %dma_wait3A_149] : memref<16x128x3968xf32, #tpu.memory_space<hbm>> -> memref<1x128x3968xf32, #tpu.memory_space<hbm>>
        %dma_wait3A_151 = tpu.memref_squeeze %dma_wait3A_150 : memref<1x128x3968xf32, #tpu.memory_space<hbm>> -> memref<128x3968xf32, #tpu.memory_space<hbm>>
        tpu.wait_dma2 semaphore(%run_scoped3A_137 : memref<!tpu.dma_semaphore, #tpu.memory_space<semaphore_mem>>) src(%dma_wait3A_151 : memref<128x3968xf32, #tpu.memory_space<hbm>>) dst(%dma_wait3A_147 : memref<128x3968xf32, #tpu.memory_space<vmem_shared>>)
        tpu.yield
      }) : () -> ()
    } else {
    }
    %barrier3A_19 = arith.constant 0 : index
    tpu.barrier barrier_id(%barrier3A_19)
    %mul3A_20 = arith.constant 128 : i32
    %mul3A_21 = arith.muli %mul3A_20, %arg1 : i32
    %sub3A_22 = arith.constant 1920 : i32
    %sub3A_23 = arith.subi %sub3A_22, %mul3A_21 : i32
    %mul3A_24 = arith.constant 128 : i32
    %mul3A_25 = arith.muli %mul3A_24, %arg1 : i32
    %run_scoped3A_26 = arith.constant 1 : i32
    "tpu.region"() ({
      %run_scoped3A_136 = tpu.sem_alloc : memref<!tpu.dma_semaphore, #tpu.memory_space<semaphore_mem>>
      %dma_start3A = arith.constant 0 : i32
      %dma_start3A_137 = tpu.memref_slice %arg3[%add3A_13, %mul3A_25, %dma_start3A] : memref<16x2048x2048xf32, #tpu.memory_space<hbm>> -> memref<1x128x2048xf32, #tpu.memory_space<hbm>>
      %dma_start3A_138 = tpu.memref_squeeze %dma_start3A_137 : memref<1x128x2048xf32, #tpu.memory_space<hbm>> -> memref<128x2048xf32, #tpu.memory_space<hbm>>
      %dma_start3A_139 = arith.constant 0 : i32
      %dma_start3A_140 = tpu.memref_slice %arg4[%run_scoped3A_26, %dma_start3A_139, %sub3A_23] : memref<2x128x3968xf32, #tpu.memory_space<vmem_shared>> -> memref<1x128x2048xf32, #tpu.memory_space<vmem_shared>>
      %dma_start3A_141 = tpu.memref_squeeze %dma_start3A_140 : memref<1x128x2048xf32, #tpu.memory_space<vmem_shared>> -> memref<128x2048xf32, #tpu.memory_space<vmem_shared>>
      tpu.enqueue_dma source(%dma_start3A_141 : memref<128x2048xf32, #tpu.memory_space<vmem_shared>>) target(%dma_start3A_138 : memref<128x2048xf32, #tpu.memory_space<hbm>>) target_semaphore(%run_scoped3A_136 : memref<!tpu.dma_semaphore, #tpu.memory_space<semaphore_mem>>)
      %dma_wait3A = arith.constant 0 : i32
      %dma_wait3A_142 = tpu.memref_slice %arg3[%add3A_13, %mul3A_25, %dma_wait3A] : memref<16x2048x2048xf32, #tpu.memory_space<hbm>> -> memref<1x128x2048xf32, #tpu.memory_space<hbm>>
      %dma_wait3A_143 = tpu.memref_squeeze %dma_wait3A_142 : memref<1x128x2048xf32, #tpu.memory_space<hbm>> -> memref<128x2048xf32, #tpu.memory_space<hbm>>
      %dma_wait3A_144 = arith.constant 0 : i32
      %dma_wait3A_145 = tpu.memref_slice %arg4[%run_scoped3A_26, %dma_wait3A_144, %sub3A_23] : memref<2x128x3968xf32, #tpu.memory_space<vmem_shared>> -> memref<1x128x2048xf32, #tpu.memory_space<vmem_shared>>
      %dma_wait3A_146 = tpu.memref_squeeze %dma_wait3A_145 : memref<1x128x2048xf32, #tpu.memory_space<vmem_shared>> -> memref<128x2048xf32, #tpu.memory_space<vmem_shared>>
      tpu.wait_dma2 semaphore(%run_scoped3A_136 : memref<!tpu.dma_semaphore, #tpu.memory_space<semaphore_mem>>) src(%dma_wait3A_146 : memref<128x2048xf32, #tpu.memory_space<vmem_shared>>) dst(%dma_wait3A_143 : memref<128x2048xf32, #tpu.memory_space<hbm>>)
      tpu.yield
    }) : () -> ()
    %barrier3A_27 = arith.constant 0 : index
    tpu.barrier barrier_id(%barrier3A_27)
    %mul3A_28 = arith.constant 8 : i32
    %mul3A_29 = arith.muli %arg0, %mul3A_28 : i32
    %add3A_30 = arith.constant 2 : i32
    %add3A_31 = arith.addi %mul3A_29, %add3A_30 : i32
    %eq3A_32 = arith.constant 0 : i32
    %eq3A_33 = arith.cmpi eq, %arg1, %eq3A_32 : i32
    %convert_element_type3A_34 = arith.extui %eq3A_33 : i1 to i32
    %cond3A_35 = arith.constant 0 : i32
    %cond3A_36 = arith.cmpi ne, %convert_element_type3A_34, %cond3A_35 : i32
    scf.if %cond3A_36 {
      %run_scoped3A_136 = arith.constant 0 : i32
      "tpu.region"() ({
        %run_scoped3A_137 = tpu.sem_alloc : memref<!tpu.dma_semaphore, #tpu.memory_space<semaphore_mem>>
        %dma_start3A = arith.constant 0 : i32
        %dma_start3A_138 = arith.constant 0 : i32
        %dma_start3A_139 = tpu.memref_slice %arg4[%run_scoped3A_136, %dma_start3A, %dma_start3A_138] : memref<2x128x3968xf32, #tpu.memory_space<vmem_shared>> -> memref<1x128x3968xf32, #tpu.memory_space<vmem_shared>>
        %dma_start3A_140 = tpu.memref_squeeze %dma_start3A_139 : memref<1x128x3968xf32, #tpu.memory_space<vmem_shared>> -> memref<128x3968xf32, #tpu.memory_space<vmem_shared>>
        %dma_start3A_141 = arith.constant 0 : i32
        %dma_start3A_142 = arith.constant 0 : i32
        %dma_start3A_143 = tpu.memref_slice %arg2[%add3A_31, %dma_start3A_141, %dma_start3A_142] : memref<16x128x3968xf32, #tpu.memory_space<hbm>> -> memref<1x128x3968xf32, #tpu.memory_space<hbm>>
        %dma_start3A_144 = tpu.memref_squeeze %dma_start3A_143 : memref<1x128x3968xf32, #tpu.memory_space<hbm>> -> memref<128x3968xf32, #tpu.memory_space<hbm>>
        tpu.enqueue_dma source(%dma_start3A_144 : memref<128x3968xf32, #tpu.memory_space<hbm>>) target(%dma_start3A_140 : memref<128x3968xf32, #tpu.memory_space<vmem_shared>>) target_semaphore(%run_scoped3A_137 : memref<!tpu.dma_semaphore, #tpu.memory_space<semaphore_mem>>)
        %dma_wait3A = arith.constant 0 : i32
        %dma_wait3A_145 = arith.constant 0 : i32
        %dma_wait3A_146 = tpu.memref_slice %arg4[%run_scoped3A_136, %dma_wait3A, %dma_wait3A_145] : memref<2x128x3968xf32, #tpu.memory_space<vmem_shared>> -> memref<1x128x3968xf32, #tpu.memory_space<vmem_shared>>
        %dma_wait3A_147 = tpu.memref_squeeze %dma_wait3A_146 : memref<1x128x3968xf32, #tpu.memory_space<vmem_shared>> -> memref<128x3968xf32, #tpu.memory_space<vmem_shared>>
        %dma_wait3A_148 = arith.constant 0 : i32
        %dma_wait3A_149 = arith.constant 0 : i32
        %dma_wait3A_150 = tpu.memref_slice %arg2[%add3A_31, %dma_wait3A_148, %dma_wait3A_149] : memref<16x128x3968xf32, #tpu.memory_space<hbm>> -> memref<1x128x3968xf32, #tpu.memory_space<hbm>>
        %dma_wait3A_151 = tpu.memref_squeeze %dma_wait3A_150 : memref<1x128x3968xf32, #tpu.memory_space<hbm>> -> memref<128x3968xf32, #tpu.memory_space<hbm>>
        tpu.wait_dma2 semaphore(%run_scoped3A_137 : memref<!tpu.dma_semaphore, #tpu.memory_space<semaphore_mem>>) src(%dma_wait3A_151 : memref<128x3968xf32, #tpu.memory_space<hbm>>) dst(%dma_wait3A_147 : memref<128x3968xf32, #tpu.memory_space<vmem_shared>>)
        tpu.yield
      }) : () -> ()
    } else {
    }
    %barrier3A_37 = arith.constant 0 : index
    tpu.barrier barrier_id(%barrier3A_37)
    %mul3A_38 = arith.constant 128 : i32
    %mul3A_39 = arith.muli %mul3A_38, %arg1 : i32
    %sub3A_40 = arith.constant 1920 : i32
    %sub3A_41 = arith.subi %sub3A_40, %mul3A_39 : i32
    %mul3A_42 = arith.constant 128 : i32
    %mul3A_43 = arith.muli %mul3A_42, %arg1 : i32
    %run_scoped3A_44 = arith.constant 0 : i32
    "tpu.region"() ({
      %run_scoped3A_136 = tpu.sem_alloc : memref<!tpu.dma_semaphore, #tpu.memory_space<semaphore_mem>>
      %dma_start3A = arith.constant 0 : i32
      %dma_start3A_137 = tpu.memref_slice %arg3[%add3A_31, %mul3A_43, %dma_start3A] : memref<16x2048x2048xf32, #tpu.memory_space<hbm>> -> memref<1x128x2048xf32, #tpu.memory_space<hbm>>
      %dma_start3A_138 = tpu.memref_squeeze %dma_start3A_137 : memref<1x128x2048xf32, #tpu.memory_space<hbm>> -> memref<128x2048xf32, #tpu.memory_space<hbm>>
      %dma_start3A_139 = arith.constant 0 : i32
      %dma_start3A_140 = tpu.memref_slice %arg4[%run_scoped3A_44, %dma_start3A_139, %sub3A_41] : memref<2x128x3968xf32, #tpu.memory_space<vmem_shared>> -> memref<1x128x2048xf32, #tpu.memory_space<vmem_shared>>
      %dma_start3A_141 = tpu.memref_squeeze %dma_start3A_140 : memref<1x128x2048xf32, #tpu.memory_space<vmem_shared>> -> memref<128x2048xf32, #tpu.memory_space<vmem_shared>>
      tpu.enqueue_dma source(%dma_start3A_141 : memref<128x2048xf32, #tpu.memory_space<vmem_shared>>) target(%dma_start3A_138 : memref<128x2048xf32, #tpu.memory_space<hbm>>) target_semaphore(%run_scoped3A_136 : memref<!tpu.dma_semaphore, #tpu.memory_space<semaphore_mem>>)
      %dma_wait3A = arith.constant 0 : i32
      %dma_wait3A_142 = tpu.memref_slice %arg3[%add3A_31, %mul3A_43, %dma_wait3A] : memref<16x2048x2048xf32, #tpu.memory_space<hbm>> -> memref<1x128x2048xf32, #tpu.memory_space<hbm>>
      %dma_wait3A_143 = tpu.memref_squeeze %dma_wait3A_142 : memref<1x128x2048xf32, #tpu.memory_space<hbm>> -> memref<128x2048xf32, #tpu.memory_space<hbm>>
      %dma_wait3A_144 = arith.constant 0 : i32
      %dma_wait3A_145 = tpu.memref_slice %arg4[%run_scoped3A_44, %dma_wait3A_144, %sub3A_41] : memref<2x128x3968xf32, #tpu.memory_space<vmem_shared>> -> memref<1x128x2048xf32, #tpu.memory_space<vmem_shared>>
      %dma_wait3A_146 = tpu.memref_squeeze %dma_wait3A_145 : memref<1x128x2048xf32, #tpu.memory_space<vmem_shared>> -> memref<128x2048xf32, #tpu.memory_space<vmem_shared>>
      tpu.wait_dma2 semaphore(%run_scoped3A_136 : memref<!tpu.dma_semaphore, #tpu.memory_space<semaphore_mem>>) src(%dma_wait3A_146 : memref<128x2048xf32, #tpu.memory_space<vmem_shared>>) dst(%dma_wait3A_143 : memref<128x2048xf32, #tpu.memory_space<hbm>>)
      tpu.yield
    }) : () -> ()
    %barrier3A_45 = arith.constant 0 : index
    tpu.barrier barrier_id(%barrier3A_45)
    %mul3A_46 = arith.constant 8 : i32
    %mul3A_47 = arith.muli %arg0, %mul3A_46 : i32
    %add3A_48 = arith.constant 3 : i32
    %add3A_49 = arith.addi %mul3A_47, %add3A_48 : i32
    %eq3A_50 = arith.constant 0 : i32
    %eq3A_51 = arith.cmpi eq, %arg1, %eq3A_50 : i32
    %convert_element_type3A_52 = arith.extui %eq3A_51 : i1 to i32
    %cond3A_53 = arith.constant 0 : i32
    %cond3A_54 = arith.cmpi ne, %convert_element_type3A_52, %cond3A_53 : i32
    scf.if %cond3A_54 {
      %run_scoped3A_136 = arith.constant 1 : i32
      "tpu.region"() ({
        %run_scoped3A_137 = tpu.sem_alloc : memref<!tpu.dma_semaphore, #tpu.memory_space<semaphore_mem>>
        %dma_start3A = arith.constant 0 : i32
        %dma_start3A_138 = arith.constant 0 : i32
        %dma_start3A_139 = tpu.memref_slice %arg4[%run_scoped3A_136, %dma_start3A, %dma_start3A_138] : memref<2x128x3968xf32, #tpu.memory_space<vmem_shared>> -> memref<1x128x3968xf32, #tpu.memory_space<vmem_shared>>
        %dma_start3A_140 = tpu.memref_squeeze %dma_start3A_139 : memref<1x128x3968xf32, #tpu.memory_space<vmem_shared>> -> memref<128x3968xf32, #tpu.memory_space<vmem_shared>>
        %dma_start3A_141 = arith.constant 0 : i32
        %dma_start3A_142 = arith.constant 0 : i32
        %dma_start3A_143 = tpu.memref_slice %arg2[%add3A_49, %dma_start3A_141, %dma_start3A_142] : memref<16x128x3968xf32, #tpu.memory_space<hbm>> -> memref<1x128x3968xf32, #tpu.memory_space<hbm>>
        %dma_start3A_144 = tpu.memref_squeeze %dma_start3A_143 : memref<1x128x3968xf32, #tpu.memory_space<hbm>> -> memref<128x3968xf32, #tpu.memory_space<hbm>>
        tpu.enqueue_dma source(%dma_start3A_144 : memref<128x3968xf32, #tpu.memory_space<hbm>>) target(%dma_start3A_140 : memref<128x3968xf32, #tpu.memory_space<vmem_shared>>) target_semaphore(%run_scoped3A_137 : memref<!tpu.dma_semaphore, #tpu.memory_space<semaphore_mem>>)
        %dma_wait3A = arith.constant 0 : i32
        %dma_wait3A_145 = arith.constant 0 : i32
        %dma_wait3A_146 = tpu.memref_slice %arg4[%run_scoped3A_136, %dma_wait3A, %dma_wait3A_145] : memref<2x128x3968xf32, #tpu.memory_space<vmem_shared>> -> memref<1x128x3968xf32, #tpu.memory_space<vmem_shared>>
        %dma_wait3A_147 = tpu.memref_squeeze %dma_wait3A_146 : memref<1x128x3968xf32, #tpu.memory_space<vmem_shared>> -> memref<128x3968xf32, #tpu.memory_space<vmem_shared>>
        %dma_wait3A_148 = arith.constant 0 : i32
        %dma_wait3A_149 = arith.constant 0 : i32
        %dma_wait3A_150 = tpu.memref_slice %arg2[%add3A_49, %dma_wait3A_148, %dma_wait3A_149] : memref<16x128x3968xf32, #tpu.memory_space<hbm>> -> memref<1x128x3968xf32, #tpu.memory_space<hbm>>
        %dma_wait3A_151 = tpu.memref_squeeze %dma_wait3A_150 : memref<1x128x3968xf32, #tpu.memory_space<hbm>> -> memref<128x3968xf32, #tpu.memory_space<hbm>>
        tpu.wait_dma2 semaphore(%run_scoped3A_137 : memref<!tpu.dma_semaphore, #tpu.memory_space<semaphore_mem>>) src(%dma_wait3A_151 : memref<128x3968xf32, #tpu.memory_space<hbm>>) dst(%dma_wait3A_147 : memref<128x3968xf32, #tpu.memory_space<vmem_shared>>)
        tpu.yield
      }) : () -> ()
    } else {
    }
    %barrier3A_55 = arith.constant 0 : index
    tpu.barrier barrier_id(%barrier3A_55)
    %mul3A_56 = arith.constant 128 : i32
    %mul3A_57 = arith.muli %mul3A_56, %arg1 : i32
    %sub3A_58 = arith.constant 1920 : i32
    %sub3A_59 = arith.subi %sub3A_58, %mul3A_57 : i32
    %mul3A_60 = arith.constant 128 : i32
    %mul3A_61 = arith.muli %mul3A_60, %arg1 : i32
    %run_scoped3A_62 = arith.constant 1 : i32
    "tpu.region"() ({
      %run_scoped3A_136 = tpu.sem_alloc : memref<!tpu.dma_semaphore, #tpu.memory_space<semaphore_mem>>
      %dma_start3A = arith.constant 0 : i32
      %dma_start3A_137 = tpu.memref_slice %arg3[%add3A_49, %mul3A_61, %dma_start3A] : memref<16x2048x2048xf32, #tpu.memory_space<hbm>> -> memref<1x128x2048xf32, #tpu.memory_space<hbm>>
      %dma_start3A_138 = tpu.memref_squeeze %dma_start3A_137 : memref<1x128x2048xf32, #tpu.memory_space<hbm>> -> memref<128x2048xf32, #tpu.memory_space<hbm>>
      %dma_start3A_139 = arith.constant 0 : i32
      %dma_start3A_140 = tpu.memref_slice %arg4[%run_scoped3A_62, %dma_start3A_139, %sub3A_59] : memref<2x128x3968xf32, #tpu.memory_space<vmem_shared>> -> memref<1x128x2048xf32, #tpu.memory_space<vmem_shared>>
      %dma_start3A_141 = tpu.memref_squeeze %dma_start3A_140 : memref<1x128x2048xf32, #tpu.memory_space<vmem_shared>> -> memref<128x2048xf32, #tpu.memory_space<vmem_shared>>
      tpu.enqueue_dma source(%dma_start3A_141 : memref<128x2048xf32, #tpu.memory_space<vmem_shared>>) target(%dma_start3A_138 : memref<128x2048xf32, #tpu.memory_space<hbm>>) target_semaphore(%run_scoped3A_136 : memref<!tpu.dma_semaphore, #tpu.memory_space<semaphore_mem>>)
      %dma_wait3A = arith.constant 0 : i32
      %dma_wait3A_142 = tpu.memref_slice %arg3[%add3A_49, %mul3A_61, %dma_wait3A] : memref<16x2048x2048xf32, #tpu.memory_space<hbm>> -> memref<1x128x2048xf32, #tpu.memory_space<hbm>>
      %dma_wait3A_143 = tpu.memref_squeeze %dma_wait3A_142 : memref<1x128x2048xf32, #tpu.memory_space<hbm>> -> memref<128x2048xf32, #tpu.memory_space<hbm>>
      %dma_wait3A_144 = arith.constant 0 : i32
      %dma_wait3A_145 = tpu.memref_slice %arg4[%run_scoped3A_62, %dma_wait3A_144, %sub3A_59] : memref<2x128x3968xf32, #tpu.memory_space<vmem_shared>> -> memref<1x128x2048xf32, #tpu.memory_space<vmem_shared>>
      %dma_wait3A_146 = tpu.memref_squeeze %dma_wait3A_145 : memref<1x128x2048xf32, #tpu.memory_space<vmem_shared>> -> memref<128x2048xf32, #tpu.memory_space<vmem_shared>>
      tpu.wait_dma2 semaphore(%run_scoped3A_136 : memref<!tpu.dma_semaphore, #tpu.memory_space<semaphore_mem>>) src(%dma_wait3A_146 : memref<128x2048xf32, #tpu.memory_space<vmem_shared>>) dst(%dma_wait3A_143 : memref<128x2048xf32, #tpu.memory_space<hbm>>)
      tpu.yield
    }) : () -> ()
    %barrier3A_63 = arith.constant 0 : index
    tpu.barrier barrier_id(%barrier3A_63)
    %mul3A_64 = arith.constant 8 : i32
    %mul3A_65 = arith.muli %arg0, %mul3A_64 : i32
    %add3A_66 = arith.constant 4 : i32
    %add3A_67 = arith.addi %mul3A_65, %add3A_66 : i32
    %eq3A_68 = arith.constant 0 : i32
    %eq3A_69 = arith.cmpi eq, %arg1, %eq3A_68 : i32
    %convert_element_type3A_70 = arith.extui %eq3A_69 : i1 to i32
    %cond3A_71 = arith.constant 0 : i32
    %cond3A_72 = arith.cmpi ne, %convert_element_type3A_70, %cond3A_71 : i32
    scf.if %cond3A_72 {
      %run_scoped3A_136 = arith.constant 0 : i32
      "tpu.region"() ({
        %run_scoped3A_137 = tpu.sem_alloc : memref<!tpu.dma_semaphore, #tpu.memory_space<semaphore_mem>>
        %dma_start3A = arith.constant 0 : i32
        %dma_start3A_138 = arith.constant 0 : i32
        %dma_start3A_139 = tpu.memref_slice %arg4[%run_scoped3A_136, %dma_start3A, %dma_start3A_138] : memref<2x128x3968xf32, #tpu.memory_space<vmem_shared>> -> memref<1x128x3968xf32, #tpu.memory_space<vmem_shared>>
        %dma_start3A_140 = tpu.memref_squeeze %dma_start3A_139 : memref<1x128x3968xf32, #tpu.memory_space<vmem_shared>> -> memref<128x3968xf32, #tpu.memory_space<vmem_shared>>
        %dma_start3A_141 = arith.constant 0 : i32
        %dma_start3A_142 = arith.constant 0 : i32
        %dma_start3A_143 = tpu.memref_slice %arg2[%add3A_67, %dma_start3A_141, %dma_start3A_142] : memref<16x128x3968xf32, #tpu.memory_space<hbm>> -> memref<1x128x3968xf32, #tpu.memory_space<hbm>>
        %dma_start3A_144 = tpu.memref_squeeze %dma_start3A_143 : memref<1x128x3968xf32, #tpu.memory_space<hbm>> -> memref<128x3968xf32, #tpu.memory_space<hbm>>
        tpu.enqueue_dma source(%dma_start3A_144 : memref<128x3968xf32, #tpu.memory_space<hbm>>) target(%dma_start3A_140 : memref<128x3968xf32, #tpu.memory_space<vmem_shared>>) target_semaphore(%run_scoped3A_137 : memref<!tpu.dma_semaphore, #tpu.memory_space<semaphore_mem>>)
        %dma_wait3A = arith.constant 0 : i32
        %dma_wait3A_145 = arith.constant 0 : i32
        %dma_wait3A_146 = tpu.memref_slice %arg4[%run_scoped3A_136, %dma_wait3A, %dma_wait3A_145] : memref<2x128x3968xf32, #tpu.memory_space<vmem_shared>> -> memref<1x128x3968xf32, #tpu.memory_space<vmem_shared>>
        %dma_wait3A_147 = tpu.memref_squeeze %dma_wait3A_146 : memref<1x128x3968xf32, #tpu.memory_space<vmem_shared>> -> memref<128x3968xf32, #tpu.memory_space<vmem_shared>>
        %dma_wait3A_148 = arith.constant 0 : i32
        %dma_wait3A_149 = arith.constant 0 : i32
        %dma_wait3A_150 = tpu.memref_slice %arg2[%add3A_67, %dma_wait3A_148, %dma_wait3A_149] : memref<16x128x3968xf32, #tpu.memory_space<hbm>> -> memref<1x128x3968xf32, #tpu.memory_space<hbm>>
        %dma_wait3A_151 = tpu.memref_squeeze %dma_wait3A_150 : memref<1x128x3968xf32, #tpu.memory_space<hbm>> -> memref<128x3968xf32, #tpu.memory_space<hbm>>
        tpu.wait_dma2 semaphore(%run_scoped3A_137 : memref<!tpu.dma_semaphore, #tpu.memory_space<semaphore_mem>>) src(%dma_wait3A_151 : memref<128x3968xf32, #tpu.memory_space<hbm>>) dst(%dma_wait3A_147 : memref<128x3968xf32, #tpu.memory_space<vmem_shared>>)
        tpu.yield
      }) : () -> ()
    } else {
    }
    %barrier3A_73 = arith.constant 0 : index
    tpu.barrier barrier_id(%barrier3A_73)
    %mul3A_74 = arith.constant 128 : i32
    %mul3A_75 = arith.muli %mul3A_74, %arg1 : i32
    %sub3A_76 = arith.constant 1920 : i32
    %sub3A_77 = arith.subi %sub3A_76, %mul3A_75 : i32
    %mul3A_78 = arith.constant 128 : i32
    %mul3A_79 = arith.muli %mul3A_78, %arg1 : i32
    %run_scoped3A_80 = arith.constant 0 : i32
    "tpu.region"() ({
      %run_scoped3A_136 = tpu.sem_alloc : memref<!tpu.dma_semaphore, #tpu.memory_space<semaphore_mem>>
      %dma_start3A = arith.constant 0 : i32
      %dma_start3A_137 = tpu.memref_slice %arg3[%add3A_67, %mul3A_79, %dma_start3A] : memref<16x2048x2048xf32, #tpu.memory_space<hbm>> -> memref<1x128x2048xf32, #tpu.memory_space<hbm>>
      %dma_start3A_138 = tpu.memref_squeeze %dma_start3A_137 : memref<1x128x2048xf32, #tpu.memory_space<hbm>> -> memref<128x2048xf32, #tpu.memory_space<hbm>>
      %dma_start3A_139 = arith.constant 0 : i32
      %dma_start3A_140 = tpu.memref_slice %arg4[%run_scoped3A_80, %dma_start3A_139, %sub3A_77] : memref<2x128x3968xf32, #tpu.memory_space<vmem_shared>> -> memref<1x128x2048xf32, #tpu.memory_space<vmem_shared>>
      %dma_start3A_141 = tpu.memref_squeeze %dma_start3A_140 : memref<1x128x2048xf32, #tpu.memory_space<vmem_shared>> -> memref<128x2048xf32, #tpu.memory_space<vmem_shared>>
      tpu.enqueue_dma source(%dma_start3A_141 : memref<128x2048xf32, #tpu.memory_space<vmem_shared>>) target(%dma_start3A_138 : memref<128x2048xf32, #tpu.memory_space<hbm>>) target_semaphore(%run_scoped3A_136 : memref<!tpu.dma_semaphore, #tpu.memory_space<semaphore_mem>>)
      %dma_wait3A = arith.constant 0 : i32
      %dma_wait3A_142 = tpu.memref_slice %arg3[%add3A_67, %mul3A_79, %dma_wait3A] : memref<16x2048x2048xf32, #tpu.memory_space<hbm>> -> memref<1x128x2048xf32, #tpu.memory_space<hbm>>
      %dma_wait3A_143 = tpu.memref_squeeze %dma_wait3A_142 : memref<1x128x2048xf32, #tpu.memory_space<hbm>> -> memref<128x2048xf32, #tpu.memory_space<hbm>>
      %dma_wait3A_144 = arith.constant 0 : i32
      %dma_wait3A_145 = tpu.memref_slice %arg4[%run_scoped3A_80, %dma_wait3A_144, %sub3A_77] : memref<2x128x3968xf32, #tpu.memory_space<vmem_shared>> -> memref<1x128x2048xf32, #tpu.memory_space<vmem_shared>>
      %dma_wait3A_146 = tpu.memref_squeeze %dma_wait3A_145 : memref<1x128x2048xf32, #tpu.memory_space<vmem_shared>> -> memref<128x2048xf32, #tpu.memory_space<vmem_shared>>
      tpu.wait_dma2 semaphore(%run_scoped3A_136 : memref<!tpu.dma_semaphore, #tpu.memory_space<semaphore_mem>>) src(%dma_wait3A_146 : memref<128x2048xf32, #tpu.memory_space<vmem_shared>>) dst(%dma_wait3A_143 : memref<128x2048xf32, #tpu.memory_space<hbm>>)
      tpu.yield
    }) : () -> ()
    %barrier3A_81 = arith.constant 0 : index
    tpu.barrier barrier_id(%barrier3A_81)
    %mul3A_82 = arith.constant 8 : i32
    %mul3A_83 = arith.muli %arg0, %mul3A_82 : i32
    %add3A_84 = arith.constant 5 : i32
    %add3A_85 = arith.addi %mul3A_83, %add3A_84 : i32
    %eq3A_86 = arith.constant 0 : i32
    %eq3A_87 = arith.cmpi eq, %arg1, %eq3A_86 : i32
    %convert_element_type3A_88 = arith.extui %eq3A_87 : i1 to i32
    %cond3A_89 = arith.constant 0 : i32
    %cond3A_90 = arith.cmpi ne, %convert_element_type3A_88, %cond3A_89 : i32
    scf.if %cond3A_90 {
      %run_scoped3A_136 = arith.constant 1 : i32
      "tpu.region"() ({
        %run_scoped3A_137 = tpu.sem_alloc : memref<!tpu.dma_semaphore, #tpu.memory_space<semaphore_mem>>
        %dma_start3A = arith.constant 0 : i32
        %dma_start3A_138 = arith.constant 0 : i32
        %dma_start3A_139 = tpu.memref_slice %arg4[%run_scoped3A_136, %dma_start3A, %dma_start3A_138] : memref<2x128x3968xf32, #tpu.memory_space<vmem_shared>> -> memref<1x128x3968xf32, #tpu.memory_space<vmem_shared>>
        %dma_start3A_140 = tpu.memref_squeeze %dma_start3A_139 : memref<1x128x3968xf32, #tpu.memory_space<vmem_shared>> -> memref<128x3968xf32, #tpu.memory_space<vmem_shared>>
        %dma_start3A_141 = arith.constant 0 : i32
        %dma_start3A_142 = arith.constant 0 : i32
        %dma_start3A_143 = tpu.memref_slice %arg2[%add3A_85, %dma_start3A_141, %dma_start3A_142] : memref<16x128x3968xf32, #tpu.memory_space<hbm>> -> memref<1x128x3968xf32, #tpu.memory_space<hbm>>
        %dma_start3A_144 = tpu.memref_squeeze %dma_start3A_143 : memref<1x128x3968xf32, #tpu.memory_space<hbm>> -> memref<128x3968xf32, #tpu.memory_space<hbm>>
        tpu.enqueue_dma source(%dma_start3A_144 : memref<128x3968xf32, #tpu.memory_space<hbm>>) target(%dma_start3A_140 : memref<128x3968xf32, #tpu.memory_space<vmem_shared>>) target_semaphore(%run_scoped3A_137 : memref<!tpu.dma_semaphore, #tpu.memory_space<semaphore_mem>>)
        %dma_wait3A = arith.constant 0 : i32
        %dma_wait3A_145 = arith.constant 0 : i32
        %dma_wait3A_146 = tpu.memref_slice %arg4[%run_scoped3A_136, %dma_wait3A, %dma_wait3A_145] : memref<2x128x3968xf32, #tpu.memory_space<vmem_shared>> -> memref<1x128x3968xf32, #tpu.memory_space<vmem_shared>>
        %dma_wait3A_147 = tpu.memref_squeeze %dma_wait3A_146 : memref<1x128x3968xf32, #tpu.memory_space<vmem_shared>> -> memref<128x3968xf32, #tpu.memory_space<vmem_shared>>
        %dma_wait3A_148 = arith.constant 0 : i32
        %dma_wait3A_149 = arith.constant 0 : i32
        %dma_wait3A_150 = tpu.memref_slice %arg2[%add3A_85, %dma_wait3A_148, %dma_wait3A_149] : memref<16x128x3968xf32, #tpu.memory_space<hbm>> -> memref<1x128x3968xf32, #tpu.memory_space<hbm>>
        %dma_wait3A_151 = tpu.memref_squeeze %dma_wait3A_150 : memref<1x128x3968xf32, #tpu.memory_space<hbm>> -> memref<128x3968xf32, #tpu.memory_space<hbm>>
        tpu.wait_dma2 semaphore(%run_scoped3A_137 : memref<!tpu.dma_semaphore, #tpu.memory_space<semaphore_mem>>) src(%dma_wait3A_151 : memref<128x3968xf32, #tpu.memory_space<hbm>>) dst(%dma_wait3A_147 : memref<128x3968xf32, #tpu.memory_space<vmem_shared>>)
        tpu.yield
      }) : () -> ()
    } else {
    }
    %barrier3A_91 = arith.constant 0 : index
    tpu.barrier barrier_id(%barrier3A_91)
    %mul3A_92 = arith.constant 128 : i32
    %mul3A_93 = arith.muli %mul3A_92, %arg1 : i32
    %sub3A_94 = arith.constant 1920 : i32
    %sub3A_95 = arith.subi %sub3A_94, %mul3A_93 : i32
    %mul3A_96 = arith.constant 128 : i32
    %mul3A_97 = arith.muli %mul3A_96, %arg1 : i32
    %run_scoped3A_98 = arith.constant 1 : i32
    "tpu.region"() ({
      %run_scoped3A_136 = tpu.sem_alloc : memref<!tpu.dma_semaphore, #tpu.memory_space<semaphore_mem>>
      %dma_start3A = arith.constant 0 : i32
      %dma_start3A_137 = tpu.memref_slice %arg3[%add3A_85, %mul3A_97, %dma_start3A] : memref<16x2048x2048xf32, #tpu.memory_space<hbm>> -> memref<1x128x2048xf32, #tpu.memory_space<hbm>>
      %dma_start3A_138 = tpu.memref_squeeze %dma_start3A_137 : memref<1x128x2048xf32, #tpu.memory_space<hbm>> -> memref<128x2048xf32, #tpu.memory_space<hbm>>
      %dma_start3A_139 = arith.constant 0 : i32
      %dma_start3A_140 = tpu.memref_slice %arg4[%run_scoped3A_98, %dma_start3A_139, %sub3A_95] : memref<2x128x3968xf32, #tpu.memory_space<vmem_shared>> -> memref<1x128x2048xf32, #tpu.memory_space<vmem_shared>>
      %dma_start3A_141 = tpu.memref_squeeze %dma_start3A_140 : memref<1x128x2048xf32, #tpu.memory_space<vmem_shared>> -> memref<128x2048xf32, #tpu.memory_space<vmem_shared>>
      tpu.enqueue_dma source(%dma_start3A_141 : memref<128x2048xf32, #tpu.memory_space<vmem_shared>>) target(%dma_start3A_138 : memref<128x2048xf32, #tpu.memory_space<hbm>>) target_semaphore(%run_scoped3A_136 : memref<!tpu.dma_semaphore, #tpu.memory_space<semaphore_mem>>)
      %dma_wait3A = arith.constant 0 : i32
      %dma_wait3A_142 = tpu.memref_slice %arg3[%add3A_85, %mul3A_97, %dma_wait3A] : memref<16x2048x2048xf32, #tpu.memory_space<hbm>> -> memref<1x128x2048xf32, #tpu.memory_space<hbm>>
      %dma_wait3A_143 = tpu.memref_squeeze %dma_wait3A_142 : memref<1x128x2048xf32, #tpu.memory_space<hbm>> -> memref<128x2048xf32, #tpu.memory_space<hbm>>
      %dma_wait3A_144 = arith.constant 0 : i32
      %dma_wait3A_145 = tpu.memref_slice %arg4[%run_scoped3A_98, %dma_wait3A_144, %sub3A_95] : memref<2x128x3968xf32, #tpu.memory_space<vmem_shared>> -> memref<1x128x2048xf32, #tpu.memory_space<vmem_shared>>
      %dma_wait3A_146 = tpu.memref_squeeze %dma_wait3A_145 : memref<1x128x2048xf32, #tpu.memory_space<vmem_shared>> -> memref<128x2048xf32, #tpu.memory_space<vmem_shared>>
      tpu.wait_dma2 semaphore(%run_scoped3A_136 : memref<!tpu.dma_semaphore, #tpu.memory_space<semaphore_mem>>) src(%dma_wait3A_146 : memref<128x2048xf32, #tpu.memory_space<vmem_shared>>) dst(%dma_wait3A_143 : memref<128x2048xf32, #tpu.memory_space<hbm>>)
      tpu.yield
    }) : () -> ()
    %barrier3A_99 = arith.constant 0 : index
    tpu.barrier barrier_id(%barrier3A_99)
    %mul3A_100 = arith.constant 8 : i32
    %mul3A_101 = arith.muli %arg0, %mul3A_100 : i32
    %add3A_102 = arith.constant 6 : i32
    %add3A_103 = arith.addi %mul3A_101, %add3A_102 : i32
    %eq3A_104 = arith.constant 0 : i32
    %eq3A_105 = arith.cmpi eq, %arg1, %eq3A_104 : i32
    %convert_element_type3A_106 = arith.extui %eq3A_105 : i1 to i32
    %cond3A_107 = arith.constant 0 : i32
    %cond3A_108 = arith.cmpi ne, %convert_element_type3A_106, %cond3A_107 : i32
    scf.if %cond3A_108 {
      %run_scoped3A_136 = arith.constant 0 : i32
      "tpu.region"() ({
        %run_scoped3A_137 = tpu.sem_alloc : memref<!tpu.dma_semaphore, #tpu.memory_space<semaphore_mem>>
        %dma_start3A = arith.constant 0 : i32
        %dma_start3A_138 = arith.constant 0 : i32
        %dma_start3A_139 = tpu.memref_slice %arg4[%run_scoped3A_136, %dma_start3A, %dma_start3A_138] : memref<2x128x3968xf32, #tpu.memory_space<vmem_shared>> -> memref<1x128x3968xf32, #tpu.memory_space<vmem_shared>>
        %dma_start3A_140 = tpu.memref_squeeze %dma_start3A_139 : memref<1x128x3968xf32, #tpu.memory_space<vmem_shared>> -> memref<128x3968xf32, #tpu.memory_space<vmem_shared>>
        %dma_start3A_141 = arith.constant 0 : i32
        %dma_start3A_142 = arith.constant 0 : i32
        %dma_start3A_143 = tpu.memref_slice %arg2[%add3A_103, %dma_start3A_141, %dma_start3A_142] : memref<16x128x3968xf32, #tpu.memory_space<hbm>> -> memref<1x128x3968xf32, #tpu.memory_space<hbm>>
        %dma_start3A_144 = tpu.memref_squeeze %dma_start3A_143 : memref<1x128x3968xf32, #tpu.memory_space<hbm>> -> memref<128x3968xf32, #tpu.memory_space<hbm>>
        tpu.enqueue_dma source(%dma_start3A_144 : memref<128x3968xf32, #tpu.memory_space<hbm>>) target(%dma_start3A_140 : memref<128x3968xf32, #tpu.memory_space<vmem_shared>>) target_semaphore(%run_scoped3A_137 : memref<!tpu.dma_semaphore, #tpu.memory_space<semaphore_mem>>)
        %dma_wait3A = arith.constant 0 : i32
        %dma_wait3A_145 = arith.constant 0 : i32
        %dma_wait3A_146 = tpu.memref_slice %arg4[%run_scoped3A_136, %dma_wait3A, %dma_wait3A_145] : memref<2x128x3968xf32, #tpu.memory_space<vmem_shared>> -> memref<1x128x3968xf32, #tpu.memory_space<vmem_shared>>
        %dma_wait3A_147 = tpu.memref_squeeze %dma_wait3A_146 : memref<1x128x3968xf32, #tpu.memory_space<vmem_shared>> -> memref<128x3968xf32, #tpu.memory_space<vmem_shared>>
        %dma_wait3A_148 = arith.constant 0 : i32
        %dma_wait3A_149 = arith.constant 0 : i32
        %dma_wait3A_150 = tpu.memref_slice %arg2[%add3A_103, %dma_wait3A_148, %dma_wait3A_149] : memref<16x128x3968xf32, #tpu.memory_space<hbm>> -> memref<1x128x3968xf32, #tpu.memory_space<hbm>>
        %dma_wait3A_151 = tpu.memref_squeeze %dma_wait3A_150 : memref<1x128x3968xf32, #tpu.memory_space<hbm>> -> memref<128x3968xf32, #tpu.memory_space<hbm>>
        tpu.wait_dma2 semaphore(%run_scoped3A_137 : memref<!tpu.dma_semaphore, #tpu.memory_space<semaphore_mem>>) src(%dma_wait3A_151 : memref<128x3968xf32, #tpu.memory_space<hbm>>) dst(%dma_wait3A_147 : memref<128x3968xf32, #tpu.memory_space<vmem_shared>>)
        tpu.yield
      }) : () -> ()
    } else {
    }
    %barrier3A_109 = arith.constant 0 : index
    tpu.barrier barrier_id(%barrier3A_109)
    %mul3A_110 = arith.constant 128 : i32
    %mul3A_111 = arith.muli %mul3A_110, %arg1 : i32
    %sub3A_112 = arith.constant 1920 : i32
    %sub3A_113 = arith.subi %sub3A_112, %mul3A_111 : i32
    %mul3A_114 = arith.constant 128 : i32
    %mul3A_115 = arith.muli %mul3A_114, %arg1 : i32
    %run_scoped3A_116 = arith.constant 0 : i32
    "tpu.region"() ({
      %run_scoped3A_136 = tpu.sem_alloc : memref<!tpu.dma_semaphore, #tpu.memory_space<semaphore_mem>>
      %dma_start3A = arith.constant 0 : i32
      %dma_start3A_137 = tpu.memref_slice %arg3[%add3A_103, %mul3A_115, %dma_start3A] : memref<16x2048x2048xf32, #tpu.memory_space<hbm>> -> memref<1x128x2048xf32, #tpu.memory_space<hbm>>
      %dma_start3A_138 = tpu.memref_squeeze %dma_start3A_137 : memref<1x128x2048xf32, #tpu.memory_space<hbm>> -> memref<128x2048xf32, #tpu.memory_space<hbm>>
      %dma_start3A_139 = arith.constant 0 : i32
      %dma_start3A_140 = tpu.memref_slice %arg4[%run_scoped3A_116, %dma_start3A_139, %sub3A_113] : memref<2x128x3968xf32, #tpu.memory_space<vmem_shared>> -> memref<1x128x2048xf32, #tpu.memory_space<vmem_shared>>
      %dma_start3A_141 = tpu.memref_squeeze %dma_start3A_140 : memref<1x128x2048xf32, #tpu.memory_space<vmem_shared>> -> memref<128x2048xf32, #tpu.memory_space<vmem_shared>>
      tpu.enqueue_dma source(%dma_start3A_141 : memref<128x2048xf32, #tpu.memory_space<vmem_shared>>) target(%dma_start3A_138 : memref<128x2048xf32, #tpu.memory_space<hbm>>) target_semaphore(%run_scoped3A_136 : memref<!tpu.dma_semaphore, #tpu.memory_space<semaphore_mem>>)
      %dma_wait3A = arith.constant 0 : i32
      %dma_wait3A_142 = tpu.memref_slice %arg3[%add3A_103, %mul3A_115, %dma_wait3A] : memref<16x2048x2048xf32, #tpu.memory_space<hbm>> -> memref<1x128x2048xf32, #tpu.memory_space<hbm>>
      %dma_wait3A_143 = tpu.memref_squeeze %dma_wait3A_142 : memref<1x128x2048xf32, #tpu.memory_space<hbm>> -> memref<128x2048xf32, #tpu.memory_space<hbm>>
      %dma_wait3A_144 = arith.constant 0 : i32
      %dma_wait3A_145 = tpu.memref_slice %arg4[%run_scoped3A_116, %dma_wait3A_144, %sub3A_113] : memref<2x128x3968xf32, #tpu.memory_space<vmem_shared>> -> memref<1x128x2048xf32, #tpu.memory_space<vmem_shared>>
      %dma_wait3A_146 = tpu.memref_squeeze %dma_wait3A_145 : memref<1x128x2048xf32, #tpu.memory_space<vmem_shared>> -> memref<128x2048xf32, #tpu.memory_space<vmem_shared>>
      tpu.wait_dma2 semaphore(%run_scoped3A_136 : memref<!tpu.dma_semaphore, #tpu.memory_space<semaphore_mem>>) src(%dma_wait3A_146 : memref<128x2048xf32, #tpu.memory_space<vmem_shared>>) dst(%dma_wait3A_143 : memref<128x2048xf32, #tpu.memory_space<hbm>>)
      tpu.yield
    }) : () -> ()
    %barrier3A_117 = arith.constant 0 : index
    tpu.barrier barrier_id(%barrier3A_117)
    %mul3A_118 = arith.constant 8 : i32
    %mul3A_119 = arith.muli %arg0, %mul3A_118 : i32
    %add3A_120 = arith.constant 7 : i32
    %add3A_121 = arith.addi %mul3A_119, %add3A_120 : i32
    %eq3A_122 = arith.constant 0 : i32
    %eq3A_123 = arith.cmpi eq, %arg1, %eq3A_122 : i32
    %convert_element_type3A_124 = arith.extui %eq3A_123 : i1 to i32
    %cond3A_125 = arith.constant 0 : i32
    %cond3A_126 = arith.cmpi ne, %convert_element_type3A_124, %cond3A_125 : i32
    scf.if %cond3A_126 {
      %run_scoped3A_136 = arith.constant 1 : i32
      "tpu.region"() ({
        %run_scoped3A_137 = tpu.sem_alloc : memref<!tpu.dma_semaphore, #tpu.memory_space<semaphore_mem>>
        %dma_start3A = arith.constant 0 : i32
        %dma_start3A_138 = arith.constant 0 : i32
        %dma_start3A_139 = tpu.memref_slice %arg4[%run_scoped3A_136, %dma_start3A, %dma_start3A_138] : memref<2x128x3968xf32, #tpu.memory_space<vmem_shared>> -> memref<1x128x3968xf32, #tpu.memory_space<vmem_shared>>
        %dma_start3A_140 = tpu.memref_squeeze %dma_start3A_139 : memref<1x128x3968xf32, #tpu.memory_space<vmem_shared>> -> memref<128x3968xf32, #tpu.memory_space<vmem_shared>>
        %dma_start3A_141 = arith.constant 0 : i32
        %dma_start3A_142 = arith.constant 0 : i32
        %dma_start3A_143 = tpu.memref_slice %arg2[%add3A_121, %dma_start3A_141, %dma_start3A_142] : memref<16x128x3968xf32, #tpu.memory_space<hbm>> -> memref<1x128x3968xf32, #tpu.memory_space<hbm>>
        %dma_start3A_144 = tpu.memref_squeeze %dma_start3A_143 : memref<1x128x3968xf32, #tpu.memory_space<hbm>> -> memref<128x3968xf32, #tpu.memory_space<hbm>>
        tpu.enqueue_dma source(%dma_start3A_144 : memref<128x3968xf32, #tpu.memory_space<hbm>>) target(%dma_start3A_140 : memref<128x3968xf32, #tpu.memory_space<vmem_shared>>) target_semaphore(%run_scoped3A_137 : memref<!tpu.dma_semaphore, #tpu.memory_space<semaphore_mem>>)
        %dma_wait3A = arith.constant 0 : i32
        %dma_wait3A_145 = arith.constant 0 : i32
        %dma_wait3A_146 = tpu.memref_slice %arg4[%run_scoped3A_136, %dma_wait3A, %dma_wait3A_145] : memref<2x128x3968xf32, #tpu.memory_space<vmem_shared>> -> memref<1x128x3968xf32, #tpu.memory_space<vmem_shared>>
        %dma_wait3A_147 = tpu.memref_squeeze %dma_wait3A_146 : memref<1x128x3968xf32, #tpu.memory_space<vmem_shared>> -> memref<128x3968xf32, #tpu.memory_space<vmem_shared>>
        %dma_wait3A_148 = arith.constant 0 : i32
        %dma_wait3A_149 = arith.constant 0 : i32
        %dma_wait3A_150 = tpu.memref_slice %arg2[%add3A_121, %dma_wait3A_148, %dma_wait3A_149] : memref<16x128x3968xf32, #tpu.memory_space<hbm>> -> memref<1x128x3968xf32, #tpu.memory_space<hbm>>
        %dma_wait3A_151 = tpu.memref_squeeze %dma_wait3A_150 : memref<1x128x3968xf32, #tpu.memory_space<hbm>> -> memref<128x3968xf32, #tpu.memory_space<hbm>>
        tpu.wait_dma2 semaphore(%run_scoped3A_137 : memref<!tpu.dma_semaphore, #tpu.memory_space<semaphore_mem>>) src(%dma_wait3A_151 : memref<128x3968xf32, #tpu.memory_space<hbm>>) dst(%dma_wait3A_147 : memref<128x3968xf32, #tpu.memory_space<vmem_shared>>)
        tpu.yield
      }) : () -> ()
    } else {
    }
    %barrier3A_127 = arith.constant 0 : index
    tpu.barrier barrier_id(%barrier3A_127)
    %mul3A_128 = arith.constant 128 : i32
    %mul3A_129 = arith.muli %mul3A_128, %arg1 : i32
    %sub3A_130 = arith.constant 1920 : i32
    %sub3A_131 = arith.subi %sub3A_130, %mul3A_129 : i32
    %mul3A_132 = arith.constant 128 : i32
    %mul3A_133 = arith.muli %mul3A_132, %arg1 : i32
    %run_scoped3A_134 = arith.constant 1 : i32
    "tpu.region"() ({
      %run_scoped3A_136 = tpu.sem_alloc : memref<!tpu.dma_semaphore, #tpu.memory_space<semaphore_mem>>
      %dma_start3A = arith.constant 0 : i32
      %dma_start3A_137 = tpu.memref_slice %arg3[%add3A_121, %mul3A_133, %dma_start3A] : memref<16x2048x2048xf32, #tpu.memory_space<hbm>> -> memref<1x128x2048xf32, #tpu.memory_space<hbm>>
      %dma_start3A_138 = tpu.memref_squeeze %dma_start3A_137 : memref<1x128x2048xf32, #tpu.memory_space<hbm>> -> memref<128x2048xf32, #tpu.memory_space<hbm>>
      %dma_start3A_139 = arith.constant 0 : i32
      %dma_start3A_140 = tpu.memref_slice %arg4[%run_scoped3A_134, %dma_start3A_139, %sub3A_131] : memref<2x128x3968xf32, #tpu.memory_space<vmem_shared>> -> memref<1x128x2048xf32, #tpu.memory_space<vmem_shared>>
      %dma_start3A_141 = tpu.memref_squeeze %dma_start3A_140 : memref<1x128x2048xf32, #tpu.memory_space<vmem_shared>> -> memref<128x2048xf32, #tpu.memory_space<vmem_shared>>
      tpu.enqueue_dma source(%dma_start3A_141 : memref<128x2048xf32, #tpu.memory_space<vmem_shared>>) target(%dma_start3A_138 : memref<128x2048xf32, #tpu.memory_space<hbm>>) target_semaphore(%run_scoped3A_136 : memref<!tpu.dma_semaphore, #tpu.memory_space<semaphore_mem>>)
      %dma_wait3A = arith.constant 0 : i32
      %dma_wait3A_142 = tpu.memref_slice %arg3[%add3A_121, %mul3A_133, %dma_wait3A] : memref<16x2048x2048xf32, #tpu.memory_space<hbm>> -> memref<1x128x2048xf32, #tpu.memory_space<hbm>>
      %dma_wait3A_143 = tpu.memref_squeeze %dma_wait3A_142 : memref<1x128x2048xf32, #tpu.memory_space<hbm>> -> memref<128x2048xf32, #tpu.memory_space<hbm>>
      %dma_wait3A_144 = arith.constant 0 : i32
      %dma_wait3A_145 = tpu.memref_slice %arg4[%run_scoped3A_134, %dma_wait3A_144, %sub3A_131] : memref<2x128x3968xf32, #tpu.memory_space<vmem_shared>> -> memref<1x128x2048xf32, #tpu.memory_space<vmem_shared>>
      %dma_wait3A_146 = tpu.memref_squeeze %dma_wait3A_145 : memref<1x128x2048xf32, #tpu.memory_space<vmem_shared>> -> memref<128x2048xf32, #tpu.memory_space<vmem_shared>>
      tpu.wait_dma2 semaphore(%run_scoped3A_136 : memref<!tpu.dma_semaphore, #tpu.memory_space<semaphore_mem>>) src(%dma_wait3A_146 : memref<128x2048xf32, #tpu.memory_space<vmem_shared>>) dst(%dma_wait3A_143 : memref<128x2048xf32, #tpu.memory_space<hbm>>)
      tpu.yield
    }) : () -> ()
    %barrier3A_135 = arith.constant 0 : index
    tpu.barrier barrier_id(%barrier3A_135)
    return
  }
}

module attributes {stable_mosaic.version = 14 : i64} {
  func.func @_build128_kernel(%arg0: i32, %arg1: memref<1x1x32xf32, #tpu.memory_space<vmem>>, %arg2: memref<1x128x3968xf32, #tpu.memory_space<vmem>>, %arg3: memref<8x4096xf32, #tpu.memory_space<vmem>>) attributes {dimension_semantics = [#tpu.dimension_semantics<arbitrary>], iteration_bounds = array<i64: 16>, scalar_prefetch = 0 : i64, scratch_operands = 1 : i64, tpu.core_type = #tpu.core_type<tc>, window_params = [{transform_indices = @transform_0, window_bounds = array<i64: 1, 1, 32>}, {transform_indices = @transform_1, window_bounds = array<i64: 1, 128, 3968>}]} {
    %iota3A = tpu.iota {dimensions = array<i32: 0>} : vector<8x4096xi32>
    %iota3A_0 = tpu.iota {dimensions = array<i32: 1>} : vector<8x4096xi32>
    %sub3A = arith.constant 2040 : i32
    %sub3A_1 = vector.broadcast %sub3A : i32 to vector<8x4096xi32>
    %sub3A_2 = arith.subi %iota3A_0, %sub3A_1 : vector<8x4096xi32>
    %sub3A_3 = arith.subi %sub3A_2, %iota3A : vector<8x4096xi32>
    %neg3A = arith.constant 0 : i32
    %neg3A_4 = vector.broadcast %neg3A : i32 to vector<8x4096xi32>
    %neg3A_5 = arith.subi %neg3A_4, %sub3A_3 : vector<8x4096xi32>
    %lt3A = arith.constant 0 : i32
    %lt3A_6 = vector.broadcast %lt3A : i32 to vector<8x4096xi32>
    %lt3A_7 = arith.cmpi slt, %neg3A_5, %lt3A_6 : vector<8x4096xi32>
    %jit3A = arith.constant 16 : i32
    %jit3A_8 = arith.constant 0 : i32
    %broadcast_in_dim3A = vector.broadcast %jit3A : i32 to vector<8x4096xi32>
    %broadcast_in_dim3A_9 = vector.broadcast %jit3A_8 : i32 to vector<8x4096xi32>
    %select_n3A = arith.select %lt3A_7, %broadcast_in_dim3A, %broadcast_in_dim3A_9 : vector<8x4096xi1>, vector<8x4096xi32>
    %abs3A = math.absi %neg3A_5 : vector<8x4096xi32>
    %lt3A_10 = arith.constant 8 : i32
    %lt3A_11 = vector.broadcast %lt3A_10 : i32 to vector<8x4096xi32>
    %lt3A_12 = arith.cmpi slt, %abs3A, %lt3A_11 : vector<8x4096xi32>
    %max3A = arith.constant 1 : i32
    %max3A_13 = vector.broadcast %max3A : i32 to vector<8x4096xi32>
    %max3A_14 = arith.maxsi %abs3A, %max3A_13 : vector<8x4096xi32>
    %convert_element_type3A = arith.sitofp %max3A_14 : vector<8x4096xi32> to vector<8x4096xf32>
    %div3A = arith.constant 8.000000e+00 : f32
    %div3A_15 = vector.broadcast %div3A : f32 to vector<8x4096xf32>
    %div3A_16 = arith.divf %convert_element_type3A, %div3A_15 : vector<8x4096xf32>
    %log3A = math.log %div3A_16 : vector<8x4096xf32>
    %div3A_17 = arith.constant 2.77258873 : f32
    %div3A_18 = vector.broadcast %div3A_17 : f32 to vector<8x4096xf32>
    %div3A_19 = arith.divf %log3A, %div3A_18 : vector<8x4096xf32>
    %mul3A = arith.constant 8.000000e+00 : f32
    %mul3A_20 = vector.broadcast %mul3A : f32 to vector<8x4096xf32>
    %mul3A_21 = arith.mulf %div3A_19, %mul3A_20 : vector<8x4096xf32>
    %convert_element_type3A_22 = arith.fptosi %mul3A_21 : vector<8x4096xf32> to vector<8x4096xi32>
    %add3A = arith.constant 8 : i32
    %add3A_23 = vector.broadcast %add3A : i32 to vector<8x4096xi32>
    %add3A_24 = arith.addi %add3A_23, %convert_element_type3A_22 : vector<8x4096xi32>
    %min3A = arith.constant 15 : i32
    %min3A_25 = vector.broadcast %min3A : i32 to vector<8x4096xi32>
    %min3A_26 = arith.minsi %add3A_24, %min3A_25 : vector<8x4096xi32>
    %select_n3A_27 = arith.select %lt3A_12, %abs3A, %min3A_26 : vector<8x4096xi1>, vector<8x4096xi32>
    %add3A_28 = arith.addi %select_n3A, %select_n3A_27 : vector<8x4096xi32>
    %broadcast_in_dim3A_29 = arith.constant 0.000000e+00 : f32
    %broadcast_in_dim3A_30 = vector.broadcast %broadcast_in_dim3A_29 : f32 to vector<8x4096xf32>
    %eq3A = arith.constant 0 : i32
    %eq3A_31 = vector.broadcast %eq3A : i32 to vector<8x4096xi32>
    %eq3A_32 = arith.cmpi eq, %add3A_28, %eq3A_31 : vector<8x4096xi32>
    %get3A = arith.constant 0 : index
    %get3A_33 = arith.constant 0 : index
    %get3A_34 = arith.constant 0 : index
    %get3A_35 = vector.load %arg1[%get3A, %get3A_33, %get3A_34] : memref<1x1x32xf32, #tpu.memory_space<vmem>>, vector<1x1x1xf32>
    %get3A_36 = vector.extract %get3A_35[0, 0, 0] : f32 from vector<1x1x1xf32>
    %jit3A_37 = arith.constant 0.000000e+00 : f32
    %broadcast_in_dim3A_38 = vector.broadcast %get3A_36 : f32 to vector<8x4096xf32>
    %broadcast_in_dim3A_39 = vector.broadcast %jit3A_37 : f32 to vector<8x4096xf32>
    %select_n3A_40 = arith.select %eq3A_32, %broadcast_in_dim3A_38, %broadcast_in_dim3A_39 : vector<8x4096xi1>, vector<8x4096xf32>
    %add3A_41 = arith.addf %broadcast_in_dim3A_30, %select_n3A_40 : vector<8x4096xf32>
    %eq3A_42 = arith.constant 1 : i32
    %eq3A_43 = vector.broadcast %eq3A_42 : i32 to vector<8x4096xi32>
    %eq3A_44 = arith.cmpi eq, %add3A_28, %eq3A_43 : vector<8x4096xi32>
    %get3A_45 = arith.constant 0 : index
    %get3A_46 = arith.constant 0 : index
    %get3A_47 = arith.constant 1 : index
    %get3A_48 = vector.load %arg1[%get3A_45, %get3A_46, %get3A_47] : memref<1x1x32xf32, #tpu.memory_space<vmem>>, vector<1x1x1xf32>
    %get3A_49 = vector.extract %get3A_48[0, 0, 0] : f32 from vector<1x1x1xf32>
    %jit3A_50 = arith.constant 0.000000e+00 : f32
    %broadcast_in_dim3A_51 = vector.broadcast %get3A_49 : f32 to vector<8x4096xf32>
    %broadcast_in_dim3A_52 = vector.broadcast %jit3A_50 : f32 to vector<8x4096xf32>
    %select_n3A_53 = arith.select %eq3A_44, %broadcast_in_dim3A_51, %broadcast_in_dim3A_52 : vector<8x4096xi1>, vector<8x4096xf32>
    %add3A_54 = arith.addf %add3A_41, %select_n3A_53 : vector<8x4096xf32>
    %eq3A_55 = arith.constant 2 : i32
    %eq3A_56 = vector.broadcast %eq3A_55 : i32 to vector<8x4096xi32>
    %eq3A_57 = arith.cmpi eq, %add3A_28, %eq3A_56 : vector<8x4096xi32>
    %get3A_58 = arith.constant 0 : index
    %get3A_59 = arith.constant 0 : index
    %get3A_60 = arith.constant 2 : index
    %get3A_61 = vector.load %arg1[%get3A_58, %get3A_59, %get3A_60] : memref<1x1x32xf32, #tpu.memory_space<vmem>>, vector<1x1x1xf32>
    %get3A_62 = vector.extract %get3A_61[0, 0, 0] : f32 from vector<1x1x1xf32>
    %jit3A_63 = arith.constant 0.000000e+00 : f32
    %broadcast_in_dim3A_64 = vector.broadcast %get3A_62 : f32 to vector<8x4096xf32>
    %broadcast_in_dim3A_65 = vector.broadcast %jit3A_63 : f32 to vector<8x4096xf32>
    %select_n3A_66 = arith.select %eq3A_57, %broadcast_in_dim3A_64, %broadcast_in_dim3A_65 : vector<8x4096xi1>, vector<8x4096xf32>
    %add3A_67 = arith.addf %add3A_54, %select_n3A_66 : vector<8x4096xf32>
    %eq3A_68 = arith.constant 3 : i32
    %eq3A_69 = vector.broadcast %eq3A_68 : i32 to vector<8x4096xi32>
    %eq3A_70 = arith.cmpi eq, %add3A_28, %eq3A_69 : vector<8x4096xi32>
    %get3A_71 = arith.constant 0 : index
    %get3A_72 = arith.constant 0 : index
    %get3A_73 = arith.constant 3 : index
    %get3A_74 = vector.load %arg1[%get3A_71, %get3A_72, %get3A_73] : memref<1x1x32xf32, #tpu.memory_space<vmem>>, vector<1x1x1xf32>
    %get3A_75 = vector.extract %get3A_74[0, 0, 0] : f32 from vector<1x1x1xf32>
    %jit3A_76 = arith.constant 0.000000e+00 : f32
    %broadcast_in_dim3A_77 = vector.broadcast %get3A_75 : f32 to vector<8x4096xf32>
    %broadcast_in_dim3A_78 = vector.broadcast %jit3A_76 : f32 to vector<8x4096xf32>
    %select_n3A_79 = arith.select %eq3A_70, %broadcast_in_dim3A_77, %broadcast_in_dim3A_78 : vector<8x4096xi1>, vector<8x4096xf32>
    %add3A_80 = arith.addf %add3A_67, %select_n3A_79 : vector<8x4096xf32>
    %eq3A_81 = arith.constant 4 : i32
    %eq3A_82 = vector.broadcast %eq3A_81 : i32 to vector<8x4096xi32>
    %eq3A_83 = arith.cmpi eq, %add3A_28, %eq3A_82 : vector<8x4096xi32>
    %get3A_84 = arith.constant 0 : index
    %get3A_85 = arith.constant 0 : index
    %get3A_86 = arith.constant 4 : index
    %get3A_87 = vector.load %arg1[%get3A_84, %get3A_85, %get3A_86] : memref<1x1x32xf32, #tpu.memory_space<vmem>>, vector<1x1x1xf32>
    %get3A_88 = vector.extract %get3A_87[0, 0, 0] : f32 from vector<1x1x1xf32>
    %jit3A_89 = arith.constant 0.000000e+00 : f32
    %broadcast_in_dim3A_90 = vector.broadcast %get3A_88 : f32 to vector<8x4096xf32>
    %broadcast_in_dim3A_91 = vector.broadcast %jit3A_89 : f32 to vector<8x4096xf32>
    %select_n3A_92 = arith.select %eq3A_83, %broadcast_in_dim3A_90, %broadcast_in_dim3A_91 : vector<8x4096xi1>, vector<8x4096xf32>
    %add3A_93 = arith.addf %add3A_80, %select_n3A_92 : vector<8x4096xf32>
    %eq3A_94 = arith.constant 5 : i32
    %eq3A_95 = vector.broadcast %eq3A_94 : i32 to vector<8x4096xi32>
    %eq3A_96 = arith.cmpi eq, %add3A_28, %eq3A_95 : vector<8x4096xi32>
    %get3A_97 = arith.constant 0 : index
    %get3A_98 = arith.constant 0 : index
    %get3A_99 = arith.constant 5 : index
    %get3A_100 = vector.load %arg1[%get3A_97, %get3A_98, %get3A_99] : memref<1x1x32xf32, #tpu.memory_space<vmem>>, vector<1x1x1xf32>
    %get3A_101 = vector.extract %get3A_100[0, 0, 0] : f32 from vector<1x1x1xf32>
    %jit3A_102 = arith.constant 0.000000e+00 : f32
    %broadcast_in_dim3A_103 = vector.broadcast %get3A_101 : f32 to vector<8x4096xf32>
    %broadcast_in_dim3A_104 = vector.broadcast %jit3A_102 : f32 to vector<8x4096xf32>
    %select_n3A_105 = arith.select %eq3A_96, %broadcast_in_dim3A_103, %broadcast_in_dim3A_104 : vector<8x4096xi1>, vector<8x4096xf32>
    %add3A_106 = arith.addf %add3A_93, %select_n3A_105 : vector<8x4096xf32>
    %eq3A_107 = arith.constant 6 : i32
    %eq3A_108 = vector.broadcast %eq3A_107 : i32 to vector<8x4096xi32>
    %eq3A_109 = arith.cmpi eq, %add3A_28, %eq3A_108 : vector<8x4096xi32>
    %get3A_110 = arith.constant 0 : index
    %get3A_111 = arith.constant 0 : index
    %get3A_112 = arith.constant 6 : index
    %get3A_113 = vector.load %arg1[%get3A_110, %get3A_111, %get3A_112] : memref<1x1x32xf32, #tpu.memory_space<vmem>>, vector<1x1x1xf32>
    %get3A_114 = vector.extract %get3A_113[0, 0, 0] : f32 from vector<1x1x1xf32>
    %jit3A_115 = arith.constant 0.000000e+00 : f32
    %broadcast_in_dim3A_116 = vector.broadcast %get3A_114 : f32 to vector<8x4096xf32>
    %broadcast_in_dim3A_117 = vector.broadcast %jit3A_115 : f32 to vector<8x4096xf32>
    %select_n3A_118 = arith.select %eq3A_109, %broadcast_in_dim3A_116, %broadcast_in_dim3A_117 : vector<8x4096xi1>, vector<8x4096xf32>
    %add3A_119 = arith.addf %add3A_106, %select_n3A_118 : vector<8x4096xf32>
    %eq3A_120 = arith.constant 7 : i32
    %eq3A_121 = vector.broadcast %eq3A_120 : i32 to vector<8x4096xi32>
    %eq3A_122 = arith.cmpi eq, %add3A_28, %eq3A_121 : vector<8x4096xi32>
    %get3A_123 = arith.constant 0 : index
    %get3A_124 = arith.constant 0 : index
    %get3A_125 = arith.constant 7 : index
    %get3A_126 = vector.load %arg1[%get3A_123, %get3A_124, %get3A_125] : memref<1x1x32xf32, #tpu.memory_space<vmem>>, vector<1x1x1xf32>
    %get3A_127 = vector.extract %get3A_126[0, 0, 0] : f32 from vector<1x1x1xf32>
    %jit3A_128 = arith.constant 0.000000e+00 : f32
    %broadcast_in_dim3A_129 = vector.broadcast %get3A_127 : f32 to vector<8x4096xf32>
    %broadcast_in_dim3A_130 = vector.broadcast %jit3A_128 : f32 to vector<8x4096xf32>
    %select_n3A_131 = arith.select %eq3A_122, %broadcast_in_dim3A_129, %broadcast_in_dim3A_130 : vector<8x4096xi1>, vector<8x4096xf32>
    %add3A_132 = arith.addf %add3A_119, %select_n3A_131 : vector<8x4096xf32>
    %eq3A_133 = arith.constant 8 : i32
    %eq3A_134 = vector.broadcast %eq3A_133 : i32 to vector<8x4096xi32>
    %eq3A_135 = arith.cmpi eq, %add3A_28, %eq3A_134 : vector<8x4096xi32>
    %get3A_136 = arith.constant 0 : index
    %get3A_137 = arith.constant 0 : index
    %get3A_138 = arith.constant 8 : index
    %get3A_139 = vector.load %arg1[%get3A_136, %get3A_137, %get3A_138] : memref<1x1x32xf32, #tpu.memory_space<vmem>>, vector<1x1x1xf32>
    %get3A_140 = vector.extract %get3A_139[0, 0, 0] : f32 from vector<1x1x1xf32>
    %jit3A_141 = arith.constant 0.000000e+00 : f32
    %broadcast_in_dim3A_142 = vector.broadcast %get3A_140 : f32 to vector<8x4096xf32>
    %broadcast_in_dim3A_143 = vector.broadcast %jit3A_141 : f32 to vector<8x4096xf32>
    %select_n3A_144 = arith.select %eq3A_135, %broadcast_in_dim3A_142, %broadcast_in_dim3A_143 : vector<8x4096xi1>, vector<8x4096xf32>
    %add3A_145 = arith.addf %add3A_132, %select_n3A_144 : vector<8x4096xf32>
    %eq3A_146 = arith.constant 9 : i32
    %eq3A_147 = vector.broadcast %eq3A_146 : i32 to vector<8x4096xi32>
    %eq3A_148 = arith.cmpi eq, %add3A_28, %eq3A_147 : vector<8x4096xi32>
    %get3A_149 = arith.constant 0 : index
    %get3A_150 = arith.constant 0 : index
    %get3A_151 = arith.constant 9 : index
    %get3A_152 = vector.load %arg1[%get3A_149, %get3A_150, %get3A_151] : memref<1x1x32xf32, #tpu.memory_space<vmem>>, vector<1x1x1xf32>
    %get3A_153 = vector.extract %get3A_152[0, 0, 0] : f32 from vector<1x1x1xf32>
    %jit3A_154 = arith.constant 0.000000e+00 : f32
    %broadcast_in_dim3A_155 = vector.broadcast %get3A_153 : f32 to vector<8x4096xf32>
    %broadcast_in_dim3A_156 = vector.broadcast %jit3A_154 : f32 to vector<8x4096xf32>
    %select_n3A_157 = arith.select %eq3A_148, %broadcast_in_dim3A_155, %broadcast_in_dim3A_156 : vector<8x4096xi1>, vector<8x4096xf32>
    %add3A_158 = arith.addf %add3A_145, %select_n3A_157 : vector<8x4096xf32>
    %eq3A_159 = arith.constant 10 : i32
    %eq3A_160 = vector.broadcast %eq3A_159 : i32 to vector<8x4096xi32>
    %eq3A_161 = arith.cmpi eq, %add3A_28, %eq3A_160 : vector<8x4096xi32>
    %get3A_162 = arith.constant 0 : index
    %get3A_163 = arith.constant 0 : index
    %get3A_164 = arith.constant 10 : index
    %get3A_165 = vector.load %arg1[%get3A_162, %get3A_163, %get3A_164] : memref<1x1x32xf32, #tpu.memory_space<vmem>>, vector<1x1x1xf32>
    %get3A_166 = vector.extract %get3A_165[0, 0, 0] : f32 from vector<1x1x1xf32>
    %jit3A_167 = arith.constant 0.000000e+00 : f32
    %broadcast_in_dim3A_168 = vector.broadcast %get3A_166 : f32 to vector<8x4096xf32>
    %broadcast_in_dim3A_169 = vector.broadcast %jit3A_167 : f32 to vector<8x4096xf32>
    %select_n3A_170 = arith.select %eq3A_161, %broadcast_in_dim3A_168, %broadcast_in_dim3A_169 : vector<8x4096xi1>, vector<8x4096xf32>
    %add3A_171 = arith.addf %add3A_158, %select_n3A_170 : vector<8x4096xf32>
    %eq3A_172 = arith.constant 11 : i32
    %eq3A_173 = vector.broadcast %eq3A_172 : i32 to vector<8x4096xi32>
    %eq3A_174 = arith.cmpi eq, %add3A_28, %eq3A_173 : vector<8x4096xi32>
    %get3A_175 = arith.constant 0 : index
    %get3A_176 = arith.constant 0 : index
    %get3A_177 = arith.constant 11 : index
    %get3A_178 = vector.load %arg1[%get3A_175, %get3A_176, %get3A_177] : memref<1x1x32xf32, #tpu.memory_space<vmem>>, vector<1x1x1xf32>
    %get3A_179 = vector.extract %get3A_178[0, 0, 0] : f32 from vector<1x1x1xf32>
    %jit3A_180 = arith.constant 0.000000e+00 : f32
    %broadcast_in_dim3A_181 = vector.broadcast %get3A_179 : f32 to vector<8x4096xf32>
    %broadcast_in_dim3A_182 = vector.broadcast %jit3A_180 : f32 to vector<8x4096xf32>
    %select_n3A_183 = arith.select %eq3A_174, %broadcast_in_dim3A_181, %broadcast_in_dim3A_182 : vector<8x4096xi1>, vector<8x4096xf32>
    %add3A_184 = arith.addf %add3A_171, %select_n3A_183 : vector<8x4096xf32>
    %eq3A_185 = arith.constant 12 : i32
    %eq3A_186 = vector.broadcast %eq3A_185 : i32 to vector<8x4096xi32>
    %eq3A_187 = arith.cmpi eq, %add3A_28, %eq3A_186 : vector<8x4096xi32>
    %get3A_188 = arith.constant 0 : index
    %get3A_189 = arith.constant 0 : index
    %get3A_190 = arith.constant 12 : index
    %get3A_191 = vector.load %arg1[%get3A_188, %get3A_189, %get3A_190] : memref<1x1x32xf32, #tpu.memory_space<vmem>>, vector<1x1x1xf32>
    %get3A_192 = vector.extract %get3A_191[0, 0, 0] : f32 from vector<1x1x1xf32>
    %jit3A_193 = arith.constant 0.000000e+00 : f32
    %broadcast_in_dim3A_194 = vector.broadcast %get3A_192 : f32 to vector<8x4096xf32>
    %broadcast_in_dim3A_195 = vector.broadcast %jit3A_193 : f32 to vector<8x4096xf32>
    %select_n3A_196 = arith.select %eq3A_187, %broadcast_in_dim3A_194, %broadcast_in_dim3A_195 : vector<8x4096xi1>, vector<8x4096xf32>
    %add3A_197 = arith.addf %add3A_184, %select_n3A_196 : vector<8x4096xf32>
    %eq3A_198 = arith.constant 13 : i32
    %eq3A_199 = vector.broadcast %eq3A_198 : i32 to vector<8x4096xi32>
    %eq3A_200 = arith.cmpi eq, %add3A_28, %eq3A_199 : vector<8x4096xi32>
    %get3A_201 = arith.constant 0 : index
    %get3A_202 = arith.constant 0 : index
    %get3A_203 = arith.constant 13 : index
    %get3A_204 = vector.load %arg1[%get3A_201, %get3A_202, %get3A_203] : memref<1x1x32xf32, #tpu.memory_space<vmem>>, vector<1x1x1xf32>
    %get3A_205 = vector.extract %get3A_204[0, 0, 0] : f32 from vector<1x1x1xf32>
    %jit3A_206 = arith.constant 0.000000e+00 : f32
    %broadcast_in_dim3A_207 = vector.broadcast %get3A_205 : f32 to vector<8x4096xf32>
    %broadcast_in_dim3A_208 = vector.broadcast %jit3A_206 : f32 to vector<8x4096xf32>
    %select_n3A_209 = arith.select %eq3A_200, %broadcast_in_dim3A_207, %broadcast_in_dim3A_208 : vector<8x4096xi1>, vector<8x4096xf32>
    %add3A_210 = arith.addf %add3A_197, %select_n3A_209 : vector<8x4096xf32>
    %eq3A_211 = arith.constant 14 : i32
    %eq3A_212 = vector.broadcast %eq3A_211 : i32 to vector<8x4096xi32>
    %eq3A_213 = arith.cmpi eq, %add3A_28, %eq3A_212 : vector<8x4096xi32>
    %get3A_214 = arith.constant 0 : index
    %get3A_215 = arith.constant 0 : index
    %get3A_216 = arith.constant 14 : index
    %get3A_217 = vector.load %arg1[%get3A_214, %get3A_215, %get3A_216] : memref<1x1x32xf32, #tpu.memory_space<vmem>>, vector<1x1x1xf32>
    %get3A_218 = vector.extract %get3A_217[0, 0, 0] : f32 from vector<1x1x1xf32>
    %jit3A_219 = arith.constant 0.000000e+00 : f32
    %broadcast_in_dim3A_220 = vector.broadcast %get3A_218 : f32 to vector<8x4096xf32>
    %broadcast_in_dim3A_221 = vector.broadcast %jit3A_219 : f32 to vector<8x4096xf32>
    %select_n3A_222 = arith.select %eq3A_213, %broadcast_in_dim3A_220, %broadcast_in_dim3A_221 : vector<8x4096xi1>, vector<8x4096xf32>
    %add3A_223 = arith.addf %add3A_210, %select_n3A_222 : vector<8x4096xf32>
    %eq3A_224 = arith.constant 15 : i32
    %eq3A_225 = vector.broadcast %eq3A_224 : i32 to vector<8x4096xi32>
    %eq3A_226 = arith.cmpi eq, %add3A_28, %eq3A_225 : vector<8x4096xi32>
    %get3A_227 = arith.constant 0 : index
    %get3A_228 = arith.constant 0 : index
    %get3A_229 = arith.constant 15 : index
    %get3A_230 = vector.load %arg1[%get3A_227, %get3A_228, %get3A_229] : memref<1x1x32xf32, #tpu.memory_space<vmem>>, vector<1x1x1xf32>
    %get3A_231 = vector.extract %get3A_230[0, 0, 0] : f32 from vector<1x1x1xf32>
    %jit3A_232 = arith.constant 0.000000e+00 : f32
    %broadcast_in_dim3A_233 = vector.broadcast %get3A_231 : f32 to vector<8x4096xf32>
    %broadcast_in_dim3A_234 = vector.broadcast %jit3A_232 : f32 to vector<8x4096xf32>
    %select_n3A_235 = arith.select %eq3A_226, %broadcast_in_dim3A_233, %broadcast_in_dim3A_234 : vector<8x4096xi1>, vector<8x4096xf32>
    %add3A_236 = arith.addf %add3A_223, %select_n3A_235 : vector<8x4096xf32>
    %eq3A_237 = arith.constant 16 : i32
    %eq3A_238 = vector.broadcast %eq3A_237 : i32 to vector<8x4096xi32>
    %eq3A_239 = arith.cmpi eq, %add3A_28, %eq3A_238 : vector<8x4096xi32>
    %get3A_240 = arith.constant 0 : index
    %get3A_241 = arith.constant 0 : index
    %get3A_242 = arith.constant 16 : index
    %get3A_243 = vector.load %arg1[%get3A_240, %get3A_241, %get3A_242] : memref<1x1x32xf32, #tpu.memory_space<vmem>>, vector<1x1x1xf32>
    %get3A_244 = vector.extract %get3A_243[0, 0, 0] : f32 from vector<1x1x1xf32>
    %jit3A_245 = arith.constant 0.000000e+00 : f32
    %broadcast_in_dim3A_246 = vector.broadcast %get3A_244 : f32 to vector<8x4096xf32>
    %broadcast_in_dim3A_247 = vector.broadcast %jit3A_245 : f32 to vector<8x4096xf32>
    %select_n3A_248 = arith.select %eq3A_239, %broadcast_in_dim3A_246, %broadcast_in_dim3A_247 : vector<8x4096xi1>, vector<8x4096xf32>
    %add3A_249 = arith.addf %add3A_236, %select_n3A_248 : vector<8x4096xf32>
    %eq3A_250 = arith.constant 17 : i32
    %eq3A_251 = vector.broadcast %eq3A_250 : i32 to vector<8x4096xi32>
    %eq3A_252 = arith.cmpi eq, %add3A_28, %eq3A_251 : vector<8x4096xi32>
    %get3A_253 = arith.constant 0 : index
    %get3A_254 = arith.constant 0 : index
    %get3A_255 = arith.constant 17 : index
    %get3A_256 = vector.load %arg1[%get3A_253, %get3A_254, %get3A_255] : memref<1x1x32xf32, #tpu.memory_space<vmem>>, vector<1x1x1xf32>
    %get3A_257 = vector.extract %get3A_256[0, 0, 0] : f32 from vector<1x1x1xf32>
    %jit3A_258 = arith.constant 0.000000e+00 : f32
    %broadcast_in_dim3A_259 = vector.broadcast %get3A_257 : f32 to vector<8x4096xf32>
    %broadcast_in_dim3A_260 = vector.broadcast %jit3A_258 : f32 to vector<8x4096xf32>
    %select_n3A_261 = arith.select %eq3A_252, %broadcast_in_dim3A_259, %broadcast_in_dim3A_260 : vector<8x4096xi1>, vector<8x4096xf32>
    %add3A_262 = arith.addf %add3A_249, %select_n3A_261 : vector<8x4096xf32>
    %eq3A_263 = arith.constant 18 : i32
    %eq3A_264 = vector.broadcast %eq3A_263 : i32 to vector<8x4096xi32>
    %eq3A_265 = arith.cmpi eq, %add3A_28, %eq3A_264 : vector<8x4096xi32>
    %get3A_266 = arith.constant 0 : index
    %get3A_267 = arith.constant 0 : index
    %get3A_268 = arith.constant 18 : index
    %get3A_269 = vector.load %arg1[%get3A_266, %get3A_267, %get3A_268] : memref<1x1x32xf32, #tpu.memory_space<vmem>>, vector<1x1x1xf32>
    %get3A_270 = vector.extract %get3A_269[0, 0, 0] : f32 from vector<1x1x1xf32>
    %jit3A_271 = arith.constant 0.000000e+00 : f32
    %broadcast_in_dim3A_272 = vector.broadcast %get3A_270 : f32 to vector<8x4096xf32>
    %broadcast_in_dim3A_273 = vector.broadcast %jit3A_271 : f32 to vector<8x4096xf32>
    %select_n3A_274 = arith.select %eq3A_265, %broadcast_in_dim3A_272, %broadcast_in_dim3A_273 : vector<8x4096xi1>, vector<8x4096xf32>
    %add3A_275 = arith.addf %add3A_262, %select_n3A_274 : vector<8x4096xf32>
    %eq3A_276 = arith.constant 19 : i32
    %eq3A_277 = vector.broadcast %eq3A_276 : i32 to vector<8x4096xi32>
    %eq3A_278 = arith.cmpi eq, %add3A_28, %eq3A_277 : vector<8x4096xi32>
    %get3A_279 = arith.constant 0 : index
    %get3A_280 = arith.constant 0 : index
    %get3A_281 = arith.constant 19 : index
    %get3A_282 = vector.load %arg1[%get3A_279, %get3A_280, %get3A_281] : memref<1x1x32xf32, #tpu.memory_space<vmem>>, vector<1x1x1xf32>
    %get3A_283 = vector.extract %get3A_282[0, 0, 0] : f32 from vector<1x1x1xf32>
    %jit3A_284 = arith.constant 0.000000e+00 : f32
    %broadcast_in_dim3A_285 = vector.broadcast %get3A_283 : f32 to vector<8x4096xf32>
    %broadcast_in_dim3A_286 = vector.broadcast %jit3A_284 : f32 to vector<8x4096xf32>
    %select_n3A_287 = arith.select %eq3A_278, %broadcast_in_dim3A_285, %broadcast_in_dim3A_286 : vector<8x4096xi1>, vector<8x4096xf32>
    %add3A_288 = arith.addf %add3A_275, %select_n3A_287 : vector<8x4096xf32>
    %eq3A_289 = arith.constant 20 : i32
    %eq3A_290 = vector.broadcast %eq3A_289 : i32 to vector<8x4096xi32>
    %eq3A_291 = arith.cmpi eq, %add3A_28, %eq3A_290 : vector<8x4096xi32>
    %get3A_292 = arith.constant 0 : index
    %get3A_293 = arith.constant 0 : index
    %get3A_294 = arith.constant 20 : index
    %get3A_295 = vector.load %arg1[%get3A_292, %get3A_293, %get3A_294] : memref<1x1x32xf32, #tpu.memory_space<vmem>>, vector<1x1x1xf32>
    %get3A_296 = vector.extract %get3A_295[0, 0, 0] : f32 from vector<1x1x1xf32>
    %jit3A_297 = arith.constant 0.000000e+00 : f32
    %broadcast_in_dim3A_298 = vector.broadcast %get3A_296 : f32 to vector<8x4096xf32>
    %broadcast_in_dim3A_299 = vector.broadcast %jit3A_297 : f32 to vector<8x4096xf32>
    %select_n3A_300 = arith.select %eq3A_291, %broadcast_in_dim3A_298, %broadcast_in_dim3A_299 : vector<8x4096xi1>, vector<8x4096xf32>
    %add3A_301 = arith.addf %add3A_288, %select_n3A_300 : vector<8x4096xf32>
    %eq3A_302 = arith.constant 21 : i32
    %eq3A_303 = vector.broadcast %eq3A_302 : i32 to vector<8x4096xi32>
    %eq3A_304 = arith.cmpi eq, %add3A_28, %eq3A_303 : vector<8x4096xi32>
    %get3A_305 = arith.constant 0 : index
    %get3A_306 = arith.constant 0 : index
    %get3A_307 = arith.constant 21 : index
    %get3A_308 = vector.load %arg1[%get3A_305, %get3A_306, %get3A_307] : memref<1x1x32xf32, #tpu.memory_space<vmem>>, vector<1x1x1xf32>
    %get3A_309 = vector.extract %get3A_308[0, 0, 0] : f32 from vector<1x1x1xf32>
    %jit3A_310 = arith.constant 0.000000e+00 : f32
    %broadcast_in_dim3A_311 = vector.broadcast %get3A_309 : f32 to vector<8x4096xf32>
    %broadcast_in_dim3A_312 = vector.broadcast %jit3A_310 : f32 to vector<8x4096xf32>
    %select_n3A_313 = arith.select %eq3A_304, %broadcast_in_dim3A_311, %broadcast_in_dim3A_312 : vector<8x4096xi1>, vector<8x4096xf32>
    %add3A_314 = arith.addf %add3A_301, %select_n3A_313 : vector<8x4096xf32>
    %eq3A_315 = arith.constant 22 : i32
    %eq3A_316 = vector.broadcast %eq3A_315 : i32 to vector<8x4096xi32>
    %eq3A_317 = arith.cmpi eq, %add3A_28, %eq3A_316 : vector<8x4096xi32>
    %get3A_318 = arith.constant 0 : index
    %get3A_319 = arith.constant 0 : index
    %get3A_320 = arith.constant 22 : index
    %get3A_321 = vector.load %arg1[%get3A_318, %get3A_319, %get3A_320] : memref<1x1x32xf32, #tpu.memory_space<vmem>>, vector<1x1x1xf32>
    %get3A_322 = vector.extract %get3A_321[0, 0, 0] : f32 from vector<1x1x1xf32>
    %jit3A_323 = arith.constant 0.000000e+00 : f32
    %broadcast_in_dim3A_324 = vector.broadcast %get3A_322 : f32 to vector<8x4096xf32>
    %broadcast_in_dim3A_325 = vector.broadcast %jit3A_323 : f32 to vector<8x4096xf32>
    %select_n3A_326 = arith.select %eq3A_317, %broadcast_in_dim3A_324, %broadcast_in_dim3A_325 : vector<8x4096xi1>, vector<8x4096xf32>
    %add3A_327 = arith.addf %add3A_314, %select_n3A_326 : vector<8x4096xf32>
    %eq3A_328 = arith.constant 23 : i32
    %eq3A_329 = vector.broadcast %eq3A_328 : i32 to vector<8x4096xi32>
    %eq3A_330 = arith.cmpi eq, %add3A_28, %eq3A_329 : vector<8x4096xi32>
    %get3A_331 = arith.constant 0 : index
    %get3A_332 = arith.constant 0 : index
    %get3A_333 = arith.constant 23 : index
    %get3A_334 = vector.load %arg1[%get3A_331, %get3A_332, %get3A_333] : memref<1x1x32xf32, #tpu.memory_space<vmem>>, vector<1x1x1xf32>
    %get3A_335 = vector.extract %get3A_334[0, 0, 0] : f32 from vector<1x1x1xf32>
    %jit3A_336 = arith.constant 0.000000e+00 : f32
    %broadcast_in_dim3A_337 = vector.broadcast %get3A_335 : f32 to vector<8x4096xf32>
    %broadcast_in_dim3A_338 = vector.broadcast %jit3A_336 : f32 to vector<8x4096xf32>
    %select_n3A_339 = arith.select %eq3A_330, %broadcast_in_dim3A_337, %broadcast_in_dim3A_338 : vector<8x4096xi1>, vector<8x4096xf32>
    %add3A_340 = arith.addf %add3A_327, %select_n3A_339 : vector<8x4096xf32>
    %eq3A_341 = arith.constant 24 : i32
    %eq3A_342 = vector.broadcast %eq3A_341 : i32 to vector<8x4096xi32>
    %eq3A_343 = arith.cmpi eq, %add3A_28, %eq3A_342 : vector<8x4096xi32>
    %get3A_344 = arith.constant 0 : index
    %get3A_345 = arith.constant 0 : index
    %get3A_346 = arith.constant 24 : index
    %get3A_347 = vector.load %arg1[%get3A_344, %get3A_345, %get3A_346] : memref<1x1x32xf32, #tpu.memory_space<vmem>>, vector<1x1x1xf32>
    %get3A_348 = vector.extract %get3A_347[0, 0, 0] : f32 from vector<1x1x1xf32>
    %jit3A_349 = arith.constant 0.000000e+00 : f32
    %broadcast_in_dim3A_350 = vector.broadcast %get3A_348 : f32 to vector<8x4096xf32>
    %broadcast_in_dim3A_351 = vector.broadcast %jit3A_349 : f32 to vector<8x4096xf32>
    %select_n3A_352 = arith.select %eq3A_343, %broadcast_in_dim3A_350, %broadcast_in_dim3A_351 : vector<8x4096xi1>, vector<8x4096xf32>
    %add3A_353 = arith.addf %add3A_340, %select_n3A_352 : vector<8x4096xf32>
    %eq3A_354 = arith.constant 25 : i32
    %eq3A_355 = vector.broadcast %eq3A_354 : i32 to vector<8x4096xi32>
    %eq3A_356 = arith.cmpi eq, %add3A_28, %eq3A_355 : vector<8x4096xi32>
    %get3A_357 = arith.constant 0 : index
    %get3A_358 = arith.constant 0 : index
    %get3A_359 = arith.constant 25 : index
    %get3A_360 = vector.load %arg1[%get3A_357, %get3A_358, %get3A_359] : memref<1x1x32xf32, #tpu.memory_space<vmem>>, vector<1x1x1xf32>
    %get3A_361 = vector.extract %get3A_360[0, 0, 0] : f32 from vector<1x1x1xf32>
    %jit3A_362 = arith.constant 0.000000e+00 : f32
    %broadcast_in_dim3A_363 = vector.broadcast %get3A_361 : f32 to vector<8x4096xf32>
    %broadcast_in_dim3A_364 = vector.broadcast %jit3A_362 : f32 to vector<8x4096xf32>
    %select_n3A_365 = arith.select %eq3A_356, %broadcast_in_dim3A_363, %broadcast_in_dim3A_364 : vector<8x4096xi1>, vector<8x4096xf32>
    %add3A_366 = arith.addf %add3A_353, %select_n3A_365 : vector<8x4096xf32>
    %eq3A_367 = arith.constant 26 : i32
    %eq3A_368 = vector.broadcast %eq3A_367 : i32 to vector<8x4096xi32>
    %eq3A_369 = arith.cmpi eq, %add3A_28, %eq3A_368 : vector<8x4096xi32>
    %get3A_370 = arith.constant 0 : index
    %get3A_371 = arith.constant 0 : index
    %get3A_372 = arith.constant 26 : index
    %get3A_373 = vector.load %arg1[%get3A_370, %get3A_371, %get3A_372] : memref<1x1x32xf32, #tpu.memory_space<vmem>>, vector<1x1x1xf32>
    %get3A_374 = vector.extract %get3A_373[0, 0, 0] : f32 from vector<1x1x1xf32>
    %jit3A_375 = arith.constant 0.000000e+00 : f32
    %broadcast_in_dim3A_376 = vector.broadcast %get3A_374 : f32 to vector<8x4096xf32>
    %broadcast_in_dim3A_377 = vector.broadcast %jit3A_375 : f32 to vector<8x4096xf32>
    %select_n3A_378 = arith.select %eq3A_369, %broadcast_in_dim3A_376, %broadcast_in_dim3A_377 : vector<8x4096xi1>, vector<8x4096xf32>
    %add3A_379 = arith.addf %add3A_366, %select_n3A_378 : vector<8x4096xf32>
    %eq3A_380 = arith.constant 27 : i32
    %eq3A_381 = vector.broadcast %eq3A_380 : i32 to vector<8x4096xi32>
    %eq3A_382 = arith.cmpi eq, %add3A_28, %eq3A_381 : vector<8x4096xi32>
    %get3A_383 = arith.constant 0 : index
    %get3A_384 = arith.constant 0 : index
    %get3A_385 = arith.constant 27 : index
    %get3A_386 = vector.load %arg1[%get3A_383, %get3A_384, %get3A_385] : memref<1x1x32xf32, #tpu.memory_space<vmem>>, vector<1x1x1xf32>
    %get3A_387 = vector.extract %get3A_386[0, 0, 0] : f32 from vector<1x1x1xf32>
    %jit3A_388 = arith.constant 0.000000e+00 : f32
    %broadcast_in_dim3A_389 = vector.broadcast %get3A_387 : f32 to vector<8x4096xf32>
    %broadcast_in_dim3A_390 = vector.broadcast %jit3A_388 : f32 to vector<8x4096xf32>
    %select_n3A_391 = arith.select %eq3A_382, %broadcast_in_dim3A_389, %broadcast_in_dim3A_390 : vector<8x4096xi1>, vector<8x4096xf32>
    %add3A_392 = arith.addf %add3A_379, %select_n3A_391 : vector<8x4096xf32>
    %eq3A_393 = arith.constant 28 : i32
    %eq3A_394 = vector.broadcast %eq3A_393 : i32 to vector<8x4096xi32>
    %eq3A_395 = arith.cmpi eq, %add3A_28, %eq3A_394 : vector<8x4096xi32>
    %get3A_396 = arith.constant 0 : index
    %get3A_397 = arith.constant 0 : index
    %get3A_398 = arith.constant 28 : index
    %get3A_399 = vector.load %arg1[%get3A_396, %get3A_397, %get3A_398] : memref<1x1x32xf32, #tpu.memory_space<vmem>>, vector<1x1x1xf32>
    %get3A_400 = vector.extract %get3A_399[0, 0, 0] : f32 from vector<1x1x1xf32>
    %jit3A_401 = arith.constant 0.000000e+00 : f32
    %broadcast_in_dim3A_402 = vector.broadcast %get3A_400 : f32 to vector<8x4096xf32>
    %broadcast_in_dim3A_403 = vector.broadcast %jit3A_401 : f32 to vector<8x4096xf32>
    %select_n3A_404 = arith.select %eq3A_395, %broadcast_in_dim3A_402, %broadcast_in_dim3A_403 : vector<8x4096xi1>, vector<8x4096xf32>
    %add3A_405 = arith.addf %add3A_392, %select_n3A_404 : vector<8x4096xf32>
    %eq3A_406 = arith.constant 29 : i32
    %eq3A_407 = vector.broadcast %eq3A_406 : i32 to vector<8x4096xi32>
    %eq3A_408 = arith.cmpi eq, %add3A_28, %eq3A_407 : vector<8x4096xi32>
    %get3A_409 = arith.constant 0 : index
    %get3A_410 = arith.constant 0 : index
    %get3A_411 = arith.constant 29 : index
    %get3A_412 = vector.load %arg1[%get3A_409, %get3A_410, %get3A_411] : memref<1x1x32xf32, #tpu.memory_space<vmem>>, vector<1x1x1xf32>
    %get3A_413 = vector.extract %get3A_412[0, 0, 0] : f32 from vector<1x1x1xf32>
    %jit3A_414 = arith.constant 0.000000e+00 : f32
    %broadcast_in_dim3A_415 = vector.broadcast %get3A_413 : f32 to vector<8x4096xf32>
    %broadcast_in_dim3A_416 = vector.broadcast %jit3A_414 : f32 to vector<8x4096xf32>
    %select_n3A_417 = arith.select %eq3A_408, %broadcast_in_dim3A_415, %broadcast_in_dim3A_416 : vector<8x4096xi1>, vector<8x4096xf32>
    %add3A_418 = arith.addf %add3A_405, %select_n3A_417 : vector<8x4096xf32>
    %eq3A_419 = arith.constant 30 : i32
    %eq3A_420 = vector.broadcast %eq3A_419 : i32 to vector<8x4096xi32>
    %eq3A_421 = arith.cmpi eq, %add3A_28, %eq3A_420 : vector<8x4096xi32>
    %get3A_422 = arith.constant 0 : index
    %get3A_423 = arith.constant 0 : index
    %get3A_424 = arith.constant 30 : index
    %get3A_425 = vector.load %arg1[%get3A_422, %get3A_423, %get3A_424] : memref<1x1x32xf32, #tpu.memory_space<vmem>>, vector<1x1x1xf32>
    %get3A_426 = vector.extract %get3A_425[0, 0, 0] : f32 from vector<1x1x1xf32>
    %jit3A_427 = arith.constant 0.000000e+00 : f32
    %broadcast_in_dim3A_428 = vector.broadcast %get3A_426 : f32 to vector<8x4096xf32>
    %broadcast_in_dim3A_429 = vector.broadcast %jit3A_427 : f32 to vector<8x4096xf32>
    %select_n3A_430 = arith.select %eq3A_421, %broadcast_in_dim3A_428, %broadcast_in_dim3A_429 : vector<8x4096xi1>, vector<8x4096xf32>
    %add3A_431 = arith.addf %add3A_418, %select_n3A_430 : vector<8x4096xf32>
    %eq3A_432 = arith.constant 31 : i32
    %eq3A_433 = vector.broadcast %eq3A_432 : i32 to vector<8x4096xi32>
    %eq3A_434 = arith.cmpi eq, %add3A_28, %eq3A_433 : vector<8x4096xi32>
    %get3A_435 = arith.constant 0 : index
    %get3A_436 = arith.constant 0 : index
    %get3A_437 = arith.constant 31 : index
    %get3A_438 = vector.load %arg1[%get3A_435, %get3A_436, %get3A_437] : memref<1x1x32xf32, #tpu.memory_space<vmem>>, vector<1x1x1xf32>
    %get3A_439 = vector.extract %get3A_438[0, 0, 0] : f32 from vector<1x1x1xf32>
    %jit3A_440 = arith.constant 0.000000e+00 : f32
    %broadcast_in_dim3A_441 = vector.broadcast %get3A_439 : f32 to vector<8x4096xf32>
    %broadcast_in_dim3A_442 = vector.broadcast %jit3A_440 : f32 to vector<8x4096xf32>
    %select_n3A_443 = arith.select %eq3A_434, %broadcast_in_dim3A_441, %broadcast_in_dim3A_442 : vector<8x4096xi1>, vector<8x4096xf32>
    %add3A_444 = arith.addf %add3A_431, %select_n3A_443 : vector<8x4096xf32>
    %swap3A = arith.constant 0 : index
    %swap3A_445 = arith.constant 0 : index
    %swap3A_446 = vector.load %arg3[%swap3A, %swap3A_445] : memref<8x4096xf32, #tpu.memory_space<vmem>>, vector<8x4096xf32>
    tpu.vector_store %arg3[%swap3A, %swap3A_445], %add3A_444 {strides = array<i32>} : memref<8x4096xf32, #tpu.memory_space<vmem>>, vector<8x4096xf32>,
    %get3A_447 = arith.constant 0 : index
    %get3A_448 = arith.constant 120 : index
    %get3A_449 = vector.load %arg3[%get3A_447, %get3A_448] : memref<8x4096xf32, #tpu.memory_space<vmem>>, vector<8x3968xf32>
    %swap3A_450 = arith.constant 0 : index
    %swap3A_451 = arith.constant 0 : index
    %swap3A_452 = arith.constant 0 : index
    %swap3A_453 = vector.load %arg2[%swap3A_450, %swap3A_451, %swap3A_452] : memref<1x128x3968xf32, #tpu.memory_space<vmem>>, vector<1x8x3968xf32>
    %swap3A_454 = vector.shape_cast %swap3A_453 : vector<1x8x3968xf32> to vector<8x3968xf32>
    %swap3A_455 = vector.shape_cast %get3A_449 : vector<8x3968xf32> to vector<1x8x3968xf32>
    tpu.vector_store %arg2[%swap3A_450, %swap3A_451, %swap3A_452], %swap3A_455 {strides = array<i32>} : memref<1x128x3968xf32, #tpu.memory_space<vmem>>, vector<1x8x3968xf32>,
    %get3A_456 = arith.constant 0 : index
    %get3A_457 = arith.constant 112 : index
    %get3A_458 = vector.load %arg3[%get3A_456, %get3A_457] : memref<8x4096xf32, #tpu.memory_space<vmem>>, vector<8x3968xf32>
    %swap3A_459 = arith.constant 0 : index
    %swap3A_460 = arith.constant 8 : index
    %swap3A_461 = arith.constant 0 : index
    %swap3A_462 = vector.load %arg2[%swap3A_459, %swap3A_460, %swap3A_461] : memref<1x128x3968xf32, #tpu.memory_space<vmem>>, vector<1x8x3968xf32>
    %swap3A_463 = vector.shape_cast %swap3A_462 : vector<1x8x3968xf32> to vector<8x3968xf32>
    %swap3A_464 = vector.shape_cast %get3A_458 : vector<8x3968xf32> to vector<1x8x3968xf32>
    tpu.vector_store %arg2[%swap3A_459, %swap3A_460, %swap3A_461], %swap3A_464 {strides = array<i32>} : memref<1x128x3968xf32, #tpu.memory_space<vmem>>, vector<1x8x3968xf32>,
    %get3A_465 = arith.constant 0 : index
    %get3A_466 = arith.constant 104 : index
    %get3A_467 = vector.load %arg3[%get3A_465, %get3A_466] : memref<8x4096xf32, #tpu.memory_space<vmem>>, vector<8x3968xf32>
    %swap3A_468 = arith.constant 0 : index
    %swap3A_469 = arith.constant 16 : index
    %swap3A_470 = arith.constant 0 : index
    %swap3A_471 = vector.load %arg2[%swap3A_468, %swap3A_469, %swap3A_470] : memref<1x128x3968xf32, #tpu.memory_space<vmem>>, vector<1x8x3968xf32>
    %swap3A_472 = vector.shape_cast %swap3A_471 : vector<1x8x3968xf32> to vector<8x3968xf32>
    %swap3A_473 = vector.shape_cast %get3A_467 : vector<8x3968xf32> to vector<1x8x3968xf32>
    tpu.vector_store %arg2[%swap3A_468, %swap3A_469, %swap3A_470], %swap3A_473 {strides = array<i32>} : memref<1x128x3968xf32, #tpu.memory_space<vmem>>, vector<1x8x3968xf32>,
    %get3A_474 = arith.constant 0 : index
    %get3A_475 = arith.constant 96 : index
    %get3A_476 = vector.load %arg3[%get3A_474, %get3A_475] : memref<8x4096xf32, #tpu.memory_space<vmem>>, vector<8x3968xf32>
    %swap3A_477 = arith.constant 0 : index
    %swap3A_478 = arith.constant 24 : index
    %swap3A_479 = arith.constant 0 : index
    %swap3A_480 = vector.load %arg2[%swap3A_477, %swap3A_478, %swap3A_479] : memref<1x128x3968xf32, #tpu.memory_space<vmem>>, vector<1x8x3968xf32>
    %swap3A_481 = vector.shape_cast %swap3A_480 : vector<1x8x3968xf32> to vector<8x3968xf32>
    %swap3A_482 = vector.shape_cast %get3A_476 : vector<8x3968xf32> to vector<1x8x3968xf32>
    tpu.vector_store %arg2[%swap3A_477, %swap3A_478, %swap3A_479], %swap3A_482 {strides = array<i32>} : memref<1x128x3968xf32, #tpu.memory_space<vmem>>, vector<1x8x3968xf32>,
    %get3A_483 = arith.constant 0 : index
    %get3A_484 = arith.constant 88 : index
    %get3A_485 = vector.load %arg3[%get3A_483, %get3A_484] : memref<8x4096xf32, #tpu.memory_space<vmem>>, vector<8x3968xf32>
    %swap3A_486 = arith.constant 0 : index
    %swap3A_487 = arith.constant 32 : index
    %swap3A_488 = arith.constant 0 : index
    %swap3A_489 = vector.load %arg2[%swap3A_486, %swap3A_487, %swap3A_488] : memref<1x128x3968xf32, #tpu.memory_space<vmem>>, vector<1x8x3968xf32>
    %swap3A_490 = vector.shape_cast %swap3A_489 : vector<1x8x3968xf32> to vector<8x3968xf32>
    %swap3A_491 = vector.shape_cast %get3A_485 : vector<8x3968xf32> to vector<1x8x3968xf32>
    tpu.vector_store %arg2[%swap3A_486, %swap3A_487, %swap3A_488], %swap3A_491 {strides = array<i32>} : memref<1x128x3968xf32, #tpu.memory_space<vmem>>, vector<1x8x3968xf32>,
    %get3A_492 = arith.constant 0 : index
    %get3A_493 = arith.constant 80 : index
    %get3A_494 = vector.load %arg3[%get3A_492, %get3A_493] : memref<8x4096xf32, #tpu.memory_space<vmem>>, vector<8x3968xf32>
    %swap3A_495 = arith.constant 0 : index
    %swap3A_496 = arith.constant 40 : index
    %swap3A_497 = arith.constant 0 : index
    %swap3A_498 = vector.load %arg2[%swap3A_495, %swap3A_496, %swap3A_497] : memref<1x128x3968xf32, #tpu.memory_space<vmem>>, vector<1x8x3968xf32>
    %swap3A_499 = vector.shape_cast %swap3A_498 : vector<1x8x3968xf32> to vector<8x3968xf32>
    %swap3A_500 = vector.shape_cast %get3A_494 : vector<8x3968xf32> to vector<1x8x3968xf32>
    tpu.vector_store %arg2[%swap3A_495, %swap3A_496, %swap3A_497], %swap3A_500 {strides = array<i32>} : memref<1x128x3968xf32, #tpu.memory_space<vmem>>, vector<1x8x3968xf32>,
    %get3A_501 = arith.constant 0 : index
    %get3A_502 = arith.constant 72 : index
    %get3A_503 = vector.load %arg3[%get3A_501, %get3A_502] : memref<8x4096xf32, #tpu.memory_space<vmem>>, vector<8x3968xf32>
    %swap3A_504 = arith.constant 0 : index
    %swap3A_505 = arith.constant 48 : index
    %swap3A_506 = arith.constant 0 : index
    %swap3A_507 = vector.load %arg2[%swap3A_504, %swap3A_505, %swap3A_506] : memref<1x128x3968xf32, #tpu.memory_space<vmem>>, vector<1x8x3968xf32>
    %swap3A_508 = vector.shape_cast %swap3A_507 : vector<1x8x3968xf32> to vector<8x3968xf32>
    %swap3A_509 = vector.shape_cast %get3A_503 : vector<8x3968xf32> to vector<1x8x3968xf32>
    tpu.vector_store %arg2[%swap3A_504, %swap3A_505, %swap3A_506], %swap3A_509 {strides = array<i32>} : memref<1x128x3968xf32, #tpu.memory_space<vmem>>, vector<1x8x3968xf32>,
    %get3A_510 = arith.constant 0 : index
    %get3A_511 = arith.constant 64 : index
    %get3A_512 = vector.load %arg3[%get3A_510, %get3A_511] : memref<8x4096xf32, #tpu.memory_space<vmem>>, vector<8x3968xf32>
    %swap3A_513 = arith.constant 0 : index
    %swap3A_514 = arith.constant 56 : index
    %swap3A_515 = arith.constant 0 : index
    %swap3A_516 = vector.load %arg2[%swap3A_513, %swap3A_514, %swap3A_515] : memref<1x128x3968xf32, #tpu.memory_space<vmem>>, vector<1x8x3968xf32>
    %swap3A_517 = vector.shape_cast %swap3A_516 : vector<1x8x3968xf32> to vector<8x3968xf32>
    %swap3A_518 = vector.shape_cast %get3A_512 : vector<8x3968xf32> to vector<1x8x3968xf32>
    tpu.vector_store %arg2[%swap3A_513, %swap3A_514, %swap3A_515], %swap3A_518 {strides = array<i32>} : memref<1x128x3968xf32, #tpu.memory_space<vmem>>, vector<1x8x3968xf32>,
    %get3A_519 = arith.constant 0 : index
    %get3A_520 = arith.constant 56 : index
    %get3A_521 = vector.load %arg3[%get3A_519, %get3A_520] : memref<8x4096xf32, #tpu.memory_space<vmem>>, vector<8x3968xf32>
    %swap3A_522 = arith.constant 0 : index
    %swap3A_523 = arith.constant 64 : index
    %swap3A_524 = arith.constant 0 : index
    %swap3A_525 = vector.load %arg2[%swap3A_522, %swap3A_523, %swap3A_524] : memref<1x128x3968xf32, #tpu.memory_space<vmem>>, vector<1x8x3968xf32>
    %swap3A_526 = vector.shape_cast %swap3A_525 : vector<1x8x3968xf32> to vector<8x3968xf32>
    %swap3A_527 = vector.shape_cast %get3A_521 : vector<8x3968xf32> to vector<1x8x3968xf32>
    tpu.vector_store %arg2[%swap3A_522, %swap3A_523, %swap3A_524], %swap3A_527 {strides = array<i32>} : memref<1x128x3968xf32, #tpu.memory_space<vmem>>, vector<1x8x3968xf32>,
    %get3A_528 = arith.constant 0 : index
    %get3A_529 = arith.constant 48 : index
    %get3A_530 = vector.load %arg3[%get3A_528, %get3A_529] : memref<8x4096xf32, #tpu.memory_space<vmem>>, vector<8x3968xf32>
    %swap3A_531 = arith.constant 0 : index
    %swap3A_532 = arith.constant 72 : index
    %swap3A_533 = arith.constant 0 : index
    %swap3A_534 = vector.load %arg2[%swap3A_531, %swap3A_532, %swap3A_533] : memref<1x128x3968xf32, #tpu.memory_space<vmem>>, vector<1x8x3968xf32>
    %swap3A_535 = vector.shape_cast %swap3A_534 : vector<1x8x3968xf32> to vector<8x3968xf32>
    %swap3A_536 = vector.shape_cast %get3A_530 : vector<8x3968xf32> to vector<1x8x3968xf32>
    tpu.vector_store %arg2[%swap3A_531, %swap3A_532, %swap3A_533], %swap3A_536 {strides = array<i32>} : memref<1x128x3968xf32, #tpu.memory_space<vmem>>, vector<1x8x3968xf32>,
    %get3A_537 = arith.constant 0 : index
    %get3A_538 = arith.constant 40 : index
    %get3A_539 = vector.load %arg3[%get3A_537, %get3A_538] : memref<8x4096xf32, #tpu.memory_space<vmem>>, vector<8x3968xf32>
    %swap3A_540 = arith.constant 0 : index
    %swap3A_541 = arith.constant 80 : index
    %swap3A_542 = arith.constant 0 : index
    %swap3A_543 = vector.load %arg2[%swap3A_540, %swap3A_541, %swap3A_542] : memref<1x128x3968xf32, #tpu.memory_space<vmem>>, vector<1x8x3968xf32>
    %swap3A_544 = vector.shape_cast %swap3A_543 : vector<1x8x3968xf32> to vector<8x3968xf32>
    %swap3A_545 = vector.shape_cast %get3A_539 : vector<8x3968xf32> to vector<1x8x3968xf32>
    tpu.vector_store %arg2[%swap3A_540, %swap3A_541, %swap3A_542], %swap3A_545 {strides = array<i32>} : memref<1x128x3968xf32, #tpu.memory_space<vmem>>, vector<1x8x3968xf32>,
    %get3A_546 = arith.constant 0 : index
    %get3A_547 = arith.constant 32 : index
    %get3A_548 = vector.load %arg3[%get3A_546, %get3A_547] : memref<8x4096xf32, #tpu.memory_space<vmem>>, vector<8x3968xf32>
    %swap3A_549 = arith.constant 0 : index
    %swap3A_550 = arith.constant 88 : index
    %swap3A_551 = arith.constant 0 : index
    %swap3A_552 = vector.load %arg2[%swap3A_549, %swap3A_550, %swap3A_551] : memref<1x128x3968xf32, #tpu.memory_space<vmem>>, vector<1x8x3968xf32>
    %swap3A_553 = vector.shape_cast %swap3A_552 : vector<1x8x3968xf32> to vector<8x3968xf32>
    %swap3A_554 = vector.shape_cast %get3A_548 : vector<8x3968xf32> to vector<1x8x3968xf32>
    tpu.vector_store %arg2[%swap3A_549, %swap3A_550, %swap3A_551], %swap3A_554 {strides = array<i32>} : memref<1x128x3968xf32, #tpu.memory_space<vmem>>, vector<1x8x3968xf32>,
    %get3A_555 = arith.constant 0 : index
    %get3A_556 = arith.constant 24 : index
    %get3A_557 = vector.load %arg3[%get3A_555, %get3A_556] : memref<8x4096xf32, #tpu.memory_space<vmem>>, vector<8x3968xf32>
    %swap3A_558 = arith.constant 0 : index
    %swap3A_559 = arith.constant 96 : index
    %swap3A_560 = arith.constant 0 : index
    %swap3A_561 = vector.load %arg2[%swap3A_558, %swap3A_559, %swap3A_560] : memref<1x128x3968xf32, #tpu.memory_space<vmem>>, vector<1x8x3968xf32>
    %swap3A_562 = vector.shape_cast %swap3A_561 : vector<1x8x3968xf32> to vector<8x3968xf32>
    %swap3A_563 = vector.shape_cast %get3A_557 : vector<8x3968xf32> to vector<1x8x3968xf32>
    tpu.vector_store %arg2[%swap3A_558, %swap3A_559, %swap3A_560], %swap3A_563 {strides = array<i32>} : memref<1x128x3968xf32, #tpu.memory_space<vmem>>, vector<1x8x3968xf32>,
    %get3A_564 = arith.constant 0 : index
    %get3A_565 = arith.constant 16 : index
    %get3A_566 = vector.load %arg3[%get3A_564, %get3A_565] : memref<8x4096xf32, #tpu.memory_space<vmem>>, vector<8x3968xf32>
    %swap3A_567 = arith.constant 0 : index
    %swap3A_568 = arith.constant 104 : index
    %swap3A_569 = arith.constant 0 : index
    %swap3A_570 = vector.load %arg2[%swap3A_567, %swap3A_568, %swap3A_569] : memref<1x128x3968xf32, #tpu.memory_space<vmem>>, vector<1x8x3968xf32>
    %swap3A_571 = vector.shape_cast %swap3A_570 : vector<1x8x3968xf32> to vector<8x3968xf32>
    %swap3A_572 = vector.shape_cast %get3A_566 : vector<8x3968xf32> to vector<1x8x3968xf32>
    tpu.vector_store %arg2[%swap3A_567, %swap3A_568, %swap3A_569], %swap3A_572 {strides = array<i32>} : memref<1x128x3968xf32, #tpu.memory_space<vmem>>, vector<1x8x3968xf32>,
    %get3A_573 = arith.constant 0 : index
    %get3A_574 = arith.constant 8 : index
    %get3A_575 = vector.load %arg3[%get3A_573, %get3A_574] : memref<8x4096xf32, #tpu.memory_space<vmem>>, vector<8x3968xf32>
    %swap3A_576 = arith.constant 0 : index
    %swap3A_577 = arith.constant 112 : index
    %swap3A_578 = arith.constant 0 : index
    %swap3A_579 = vector.load %arg2[%swap3A_576, %swap3A_577, %swap3A_578] : memref<1x128x3968xf32, #tpu.memory_space<vmem>>, vector<1x8x3968xf32>
    %swap3A_580 = vector.shape_cast %swap3A_579 : vector<1x8x3968xf32> to vector<8x3968xf32>
    %swap3A_581 = vector.shape_cast %get3A_575 : vector<8x3968xf32> to vector<1x8x3968xf32>
    tpu.vector_store %arg2[%swap3A_576, %swap3A_577, %swap3A_578], %swap3A_581 {strides = array<i32>} : memref<1x128x3968xf32, #tpu.memory_space<vmem>>, vector<1x8x3968xf32>,
    %get3A_582 = arith.constant 0 : index
    %get3A_583 = arith.constant 0 : index
    %get3A_584 = vector.load %arg3[%get3A_582, %get3A_583] : memref<8x4096xf32, #tpu.memory_space<vmem>>, vector<8x3968xf32>
    %swap3A_585 = arith.constant 0 : index
    %swap3A_586 = arith.constant 120 : index
    %swap3A_587 = arith.constant 0 : index
    %swap3A_588 = vector.load %arg2[%swap3A_585, %swap3A_586, %swap3A_587] : memref<1x128x3968xf32, #tpu.memory_space<vmem>>, vector<1x8x3968xf32>
    %swap3A_589 = vector.shape_cast %swap3A_588 : vector<1x8x3968xf32> to vector<8x3968xf32>
    %swap3A_590 = vector.shape_cast %get3A_584 : vector<8x3968xf32> to vector<1x8x3968xf32>
    tpu.vector_store %arg2[%swap3A_585, %swap3A_586, %swap3A_587], %swap3A_590 {strides = array<i32>} : memref<1x128x3968xf32, #tpu.memory_space<vmem>>, vector<1x8x3968xf32>,
    return
  }
  func.func @transform_0(%arg0: i32) -> (i32, i32, i32) {
    %c0_i32 = arith.constant 0 : i32
    %c0_i32_0 = arith.constant 0 : i32
    %c0_i32_1 = arith.constant 0 : i32
    return %arg0, %c0_i32, %c0_i32_0 : i32, i32, i32
  }
  func.func @transform_1(%arg0: i32) -> (i32, i32, i32) {
    %c0_i32 = arith.constant 0 : i32
    %c0_i32_0 = arith.constant 0 : i32
    %c0_i32_1 = arith.constant 0 : i32
    return %arg0, %c0_i32, %c0_i32_0 : i32, i32, i32
  }
}

</mosaic_0001>

<sc_bundles>
// kernel: kernel.4.cloned.1.call-start
scs
__scs_entry_jumppad:
0x0: {  	(pc) =	sbr.rel $0x88, $3  }
0x1: {  	(tag) =	ssettag $0x0;
	lr =	simm.s32 $0x1  }
0x2: {  	[smem:$0x3FA0] =	sst lr;
	_ =	strace $0xD0000000  }
0x3: {  	_ = 	snop  }
0x4: {  	_ = 	snop  }
0x5: {  	_ = 	snop  }
0x6: {  	_ = 	snop  }
0x7: {  	_ = 	snop  }
__scs_overlays_trampoline_lowered:
0x8: {  	[smem:$0x3FAF] =	sst s0  }
0x9: {  	[smem:$0x3FB0] =	sst s1  }
0xa: {  	[smem:$0x3FB1] =	sst s2  }
0xb: {  	[smem:$0x3FB2] =	sst s3  }
0xc: {  	[smem:$0x3FB3] =	sst s4  }
0xd: {  	[smem:$0x3FB4] =	sst s5  }
0xe: {  	[smem:$0x3FB5] =	sst s6  }
0xf: {  	[smem:$0x3FB6] =	sst s7  }
0x10: {  	[smem:$0x3FB7] =	sst s8  }
0x11: {  	[smem:$0x3FB8] =	sst s9;
	s0 =	simm.s32 @!p0 $0x0  }
0x12: {  	s1 =	sld [smem:$0x3F9E];
	s0 =	simm.s32 @p0 $0x1  }
0x13: {  	[smem:$0x3FB9] =	sst s0;
	s0 =	simm.s32 @!p1 $0x0  }
0x14: {  	s2 =	sld [smem:$0x3F9D];
	s0 =	simm.s32 @p1 $0x1  }
0x15: {  	[smem:$0x3FBA] =	sst s0;
	s0 =	simm.s32 @!p2 $0x0  }
0x16: {  	s3 =	sld [smem:$0x3FDB];
	s0 =	simm.s32 @p2 $0x1  }
0x17: {  	s4 =	simm.s32 $0x1BF5;
	[smem:$0x3FBC] =	sst s0  }
0x18: {  	s0 =	sld [smem:$0x3F9F];
	_ =	swait.ge [sflag:s4], $0x0  }
0x19: {  	s7 =	sld [smem:$0x3FA0]  }
0x1a: {  	s8 =	sadd.s32 $0xFFFFE003, lr  }
0x1b: {  	s9 =	sadd.s32 $0xFFFFFEF7, lr;
	s5 =	simm.s32 $0xFFFFFFFF;
	p2 =	slt.u32 s8, $0xFFFFF086  }
0x1c: {  	p1 =	slt.u32 s9, $0xF7A;
	s5 =	simm.s32 @!p2 $0x0  }
0x1d: {  	s5 =	simm.s32 @p1 $0x1;
	p0 =	seq.s32 s7, s2  }
0x1e: {  	s7 =	smul.u32 @!p0 $0xF7A, s2;
	p2 =	seq.s32 @!p0 s5, $0x0  }
0x1f: {  	s9 =	smul.u32 $0xF7A, s1;
	s8 =	simm.s32 @!p0 $0x1BF5;
	p2 =	por !p2, p0  }
0x20: {  	[sflag:s8] =	ssyncset.s32 @!p0 $0xFFFFF086;
	s6 =	sadd.s32 @!p0 s3, s7;
	s7 =	simm.s32 @!p0 $0x108  }
0x21: {  	s3 =	sadd.s32 s3, s9;
	s6 =	sadd.s32 @!p0 $0x88, s6;
	s7 =	simm.s32 @p2 $0x1082  }
0x22: {  	[simem:s7], [sflag:s8] =	dma.local @!p0 [hbm:s6], $0xF7A  }
0x23: {  	s9 =	sor.u32 $0xD0000000, s2;
	s6 =	simm.s32 $0x108;
	_ =	swait.ge @!p0 [sflag:s8], $0x0  }
0x24: {  	s3 =	sadd.s32 $0x88, s3;
	s6 =	simm.s32 @!p1 $0x1082;
	[sflag:s4] =	ssyncset.s32 $0xFFFFF086  }
0x25: {  	[simem:s6], [sflag:s4] =	dma.local [hbm:s3], $0xF7A  }
0x26: {  	[smem:$0x3FA0] =	sst s1;
	(tag) =	ssettag s2;
	_ =	strace s9  }
0x27: {  	s1 =	sld [smem:$0x3FB0]  }
0x28: {  	s2 =	sld [smem:$0x3FB1]  }
0x29: {  	s4 =	sld [smem:$0x3FB3]  }
0x2a: {  	p0 =	seq.s32 s5, $0x0;
	s5 =	sld [smem:$0x3FB4]  }
0x2b: {  	s6 =	sld [smem:$0x3FB5]  }
0x2c: {  	s7 =	sld [smem:$0x3FB6]  }
0x2d: {  	s3 =	simm.s32 $0x108;
	s8 =	sld [smem:$0x3FB7]  }
0x2e: {  	s3 =	simm.s32 @!p0 $0x1082;
	s9 =	sld [smem:$0x3FB8]  }
0x2f: {  	lr =	sadd.s32 s0, s3;
	s0 =	sld [smem:$0x3FAF]  }
0x30: {  	s3 =	sld [smem:$0x3FB2]  }
0x31: {  	[smem:$0x3FBB] =	sst s10  }
0x32: {  	s10 =	sld [smem:$0x3FB9];
	_ =	sdelay $0x3  }
0x33: {  	p0 =	seq.s32 s10, $0x1;
	s10 =	sld [smem:$0x3FBB];
	_ =	sdelay $0x3  }
0x34: {  	[smem:$0x3FBB] =	sst s10  }
0x35: {  	s10 =	sld [smem:$0x3FBA];
	_ =	sdelay $0x3  }
0x36: {  	p1 =	seq.s32 s10, $0x1;
	s10 =	sld [smem:$0x3FBB];
	_ =	sdelay $0x3  }
0x37: {  	[smem:$0x3FBB] =	sst s10  }
0x38: {  	s10 =	sld [smem:$0x3FBC]  }
0x39: {  	_ = 	snop;
	(pc) =	sbr.ind lr, $3  }
0x3a: {  	_ = 	snop  }
0x3b: {  	_ = 	snop  }
0x3c: {  	p2 =	seq.s32 s10, $0x1;
	s10 =	sld [smem:$0x3FBB]  }
0x3d: {  	_ =	shalt  }
0x3e: {  	_ =	shalt  }
0x3f: {  	_ =	shalt  }
0x40: {  	_ =	shalt  }
0x41: {  	_ =	shalt  }
0x42: {  	_ =	shalt  }
0x43: {  	_ =	shalt  }
0x44: {  	_ =	shalt  }
0x45: {  	_ =	shalt  }
0x46: {  	_ =	shalt  }
0x47: {  	_ =	shalt  }
0x48: {  	_ =	shalt  }
0x49: {  	_ =	shalt  }
0x4a: {  	_ =	shalt  }
0x4b: {  	_ =	shalt  }
0x4c: {  	_ =	shalt  }
0x4d: {  	_ =	shalt  }
0x4e: {  	_ =	shalt  }
0x4f: {  	_ =	shalt  }
0x50: {  	_ =	shalt  }
0x51: {  	_ =	shalt  }
0x52: {  	_ =	shalt  }
0x53: {  	_ =	shalt  }
0x54: {  	_ =	shalt  }
0x55: {  	_ =	shalt  }
0x56: {  	_ =	shalt  }
0x57: {  	_ =	shalt  }
0x58: {  	_ =	shalt  }
0x59: {  	_ =	shalt  }
0x5a: {  	_ =	shalt  }
0x5b: {  	_ =	shalt  }
0x5c: {  	_ =	shalt  }
0x5d: {  	_ =	shalt  }
0x5e: {  	_ =	shalt  }
0x5f: {  	_ =	shalt  }
0x60: {  	_ =	shalt  }
0x61: {  	_ =	shalt  }
0x62: {  	_ =	shalt  }
0x63: {  	_ =	shalt  }
0x64: {  	_ =	shalt  }
0x65: {  	_ =	shalt  }
0x66: {  	_ =	shalt  }
0x67: {  	_ =	shalt  }
0x68: {  	_ =	shalt  }
0x69: {  	_ =	shalt  }
0x6a: {  	_ =	shalt  }
0x6b: {  	_ =	shalt  }
0x6c: {  	_ =	shalt  }
0x6d: {  	_ =	shalt  }
0x6e: {  	_ =	shalt  }
0x6f: {  	_ =	shalt  }
0x70: {  	_ =	shalt  }
0x71: {  	_ =	shalt  }
0x72: {  	_ =	shalt  }
0x73: {  	_ =	shalt  }
0x74: {  	_ =	shalt  }
0x75: {  	_ =	shalt  }
0x76: {  	_ =	shalt  }
0x77: {  	_ =	shalt  }
0x78: {  	_ =	shalt  }
0x79: {  	_ =	shalt  }
0x7a: {  	_ =	shalt  }
0x7b: {  	_ =	shalt  }
0x7c: {  	_ =	shalt  }
0x7d: {  	_ =	shalt  }
0x7e: {  	_ =	shalt  }
0x7f: {  	_ =	shalt  }
0x80: {  	_ =	shalt  }
0x81: {  	_ =	shalt  }
0x82: {  	_ =	shalt  }
0x83: {  	_ =	shalt  }
0x84: {  	_ =	shalt  }
0x85: {  	_ =	shalt  }
0x86: {  	_ =	shalt  }
0x87: {  	_ =	shalt  }
.Lfunc_end0:
.L_simem_size_0:
called_computation_lowered:
.L_overlay_start_0:
0x88: {  	s2 =	sld [smem:$0x3FD9]  }
0x89: {  	s3 =	sld [smem:$0x3FFE];
	_ =	sdelay $0x1  }
0x8a: {  	s1 =	srdreg.scid  }
0x8b: {  	s0 =	sand.u32 $0x1, s1  }
0x8c: {  	s17 =	sshll.u32 s0, $0xA;
	s2 =	sadd.s32 s3, s2  }
0x8d: {  	s2 =	sadd.s32 s2, s17  }
0x8e: {  	[smem:$0x3FC7] =	sst s2  }
0x8f: {  	_ = 	snop  }
0x90: {  	s2 =	sld [smem:$0x3FD0];
	(tm) =	ssettm $0x1  }
0x91: {  	s18 =	sld [smem:$0x3FFB];
	_ =	sdelay $0x3  }
0x92: {  	_ =	strace s18  }
0x93: {  	s3 =	sld [smem:$0x3FFC];
	_ =	sdelay $0x3  }
0x94: {  	_ =	strace s3  }
0x95: {  	s3 =	sld [smem:$0x3FFD];
	_ =	sdelay $0x3  }
0x96: {  	_ =	strace s3  }
0x97: {  	_ =	strace $0x8FFFFFFF  }
0x98: {  	s19 =	sld [smem:$0x3FDB];
	_ =	sdelay $0x1  }
0x99: {  	s4 =	simm.s32 $_scs_section_size  }
0x9a: {  	s5 =	simm.s32 $_size__tile_overlayer_lowered;
	s6 =	simm.s32 $_tile_overlayer_lowered  }
0x9b: {  	s22 =	simm.s32 $0x1BFF;
	s21 =	sshll.u32 s6, $0x1;
	s3 =	sadd.s32 s4, s19  }
0x9c: {  	s7 =	simm.s32 $0x0;
	s20 =	sshll.u32 s5, $0x1;
	s5 =	sadd.s32 s21, s3  }
0x9d: {  	[timem:s7], [sflag:s22] =	dma.local [hbm:s5], s20  }
0x9e: {  	_ =	swait.ge [sflag:s22], s20  }
0x9f: {  	s4 =	ssub.s32 $0x0, s20;
	[sflag:s22] =	ssyncset.done $0x0  }
0xa0: {  	[sflag:s22] =	ssyncadd.s32 s4;
	_ =	sdelay $0x1  }
0xa1: {  	s23 =	simm.s32 $0x1B8B  }
0xa2: {  	_ =	swait.ge [sflag:s23], $0x1  }
0xa3: {  	[sflag:s23] =	ssyncset.done $0x0  }
0xa4: {  	s25 =	simm.s32 $0x1B8E;
	s24 =	sld [smem:$0x3FFE];
	[sflag:s23] =	ssyncadd.s32 $0xFFFFFFFF  }
0xa5: {  	s26 =	simm.s32 $execute0_lowered;
	[smem:$0x3FD2] =	sst s25  }
0xa6: {  	s5 =	sshll.u32 s26, $0x1;
	_ =	strace $0x80000046;
	[dreg:$0x1] =	wrdreg $0xFFFFFFFF  }
0xa7: {  	s28 =	simm.s32 $_size_execute0_lowered;
	s3 =	sadd.s32 s3, s5;
	[dreg:$0x0] =	wrdreg $0x0  }
0xa8: {  	s5 =	sshll.u32 s28, $0x1;
	[dreg:$0x2] =	wrdreg s3  }
0xa9: {  	[dreg:$0x3] =	wrdreg s5  }
0xaa: {  	[dreg:$0x4] =	wrdreg $0xC0  }
0xab: {  	_ =	task [dreg:s7], $0x5FFFF  }
0xac: {  	[dreg:$0x1] =	wrdreg $0xFFFFFFFF  }
0xad: {  	[dreg:$0x0] =	wrdreg $0x60  }
0xae: {  	[dreg:$0x2] =	wrdreg s24  }
0xaf: {  	[dreg:$0x3] =	wrdreg s2  }
0xb0: {  	[dreg:$0x4] =	wrdreg $0x0  }
0xb1: {  	[dreg:$0x5] =	wrdreg $0x9  }
0xb2: {  	_ =	task.clear_ibuf [dreg:s7], $0x6FFFF;
	_ =	strace $0x90000046  }
0xb3: {  	s29 =	simm.s32 $0x9;
	_ =	strace $0x80000048  }
0xb4: {  	_ =	swait.ge [sflag:s29], $0x1  }
0xb5: {  	[sflag:s29] =	ssyncadd.s32 $0xFFFFFFFF  }
0xb6: {  	_ =	strace $0x90000048  }
0xb7: {  	_ =	sfence  }
0xb8: {  	s30 =	sld [smem:$0x0];
	_ =	sdelay $0x2  }
0xb9: {  	s31 =	sshll.u32 s1, $0xD;
	s1 =	sshrl.u32 s1, $0x2  }
0xba: {  	s3 =	sand.u32 $0x4000, s31;
	s1 =	sadd.s32 s1, s30  }
0xbb: {  	s0 =	sor.u32 s3, s0;
	s1 =	sshll.u32 s1, $0x11  }
0xbc: {  	s0 =	sor.u32 s1, s0  }
0xbd: {  	s0 =	sadd.s32 $0x8F2B, s0  }
0xbe: {  	[sflag:s0] =	ssyncadd.remote.s32 $0x1  }
0xbf: {  	_ =	sfence.sel $0xFFFF  }
0xc0: {  	[dreg:$0x0] =	wrdreg $0xFFFFFFFF;
	(pc) =	sbr.abs _section_cstart, $3  }
0xc1: {  	[dreg:$0x1] =	wrdreg $0xFFFFFFFF  }
0xc2: {  	_ =	task.clear_ibuf [dreg:s7], $0x2FFFF;
	_ =	strace $0x9FFFFFFF  }
0xc3: {  	(tm) =	ssettm $0x7FFFFFFF  }
tec
execute0_lowered:
.L_overlay_start_1:
0x0: {  	(tag) =	ssettag $0x1  }
0x1: {  	s1 =	rddreg [dreg:$0x0]  }
0x2: {  	s25 =	rddreg [dreg:$0x1]  }
0x3: {  	s2 =	rddreg [dreg:$0x2]  }
0x4: {  	s3 =	simm.s32 $0x0;
	s4 =	srdreg.scid;
	s7 =	stileid.u32  }
0x5: {  	[smem:$0x7FF] =	sst s3;
	s26 =	sand.u32 $0x1, s4;
	s24 =	sadd.s32 $0x600, s1  }
0x6: {  	s28 =	sshll.u32 s7, $0x12;
	s8 =	sshll.u32 s7, $0xA;
	s13 =	sadd.s32 $0x7C000, s2  }
0x7: {  	p0 =	sne.s32 s7, $0x0;
	_ =	strace $0x80000047;
	s5 =	smul.u32 $0x7C000, s26  }
0x8: {  	s6 =	sshll.u32 s26, $0x19;
	s22 =	sshll.u32 s26, $0x3;
	s10 =	ssub.s32 s2, s8  }
0x9: {  	[dreg:$0x7] =	wrdreg s13;
	s1 =	sor.u32 s28, s6;
	s9 =	sor.u32 $0x1, s22  }
0xa: {  	s11 =	sadd.s32 $0x3C00, s10;
	s19 =	sor.u32 $0x3, s22;
	s6 =	sor.u32 $0x4, s22  }
0xb: {  	s3 =	sadd.s32 s24, s5;
	s1 =	sshrl.u32 s1, $0x3;
	s12 =	smul.u32 $0xF800, s9  }
0xc: {  	[dreg:$0x6] =	wrdreg s11;
	s5 =	sor.u32 $0x2, s22;
	s17 =	smul.u32 $0xF800, s19  }
0xd: {  	s18 =	smul.u32 $0xF800, s6;
	[dreg:$0x4] =	wrdreg s3;
	s1 =	sadd.s32 s25, s1  }
0xe: {  	s21 =	sshll.u32 s6, $0x16;
	s15 =	smul.u32 $0xF800, s5;
	[dreg:$0x5] =	wrdreg s1  }
0xf: {  	s16 =	sshll.u32 s5, $0x16;
	s14 =	sadd.s32 s24, s12;
	s5 =	rddreg [dreg:$0x4]  }
0x10: {  	s29 =	sor.u32 s28, s21;
	s20 =	sadd.s32 s24, s17;
	[dreg:$0x8] =	wrdreg s14  }
0x11: {  	s1 =	sor.u32 s28, s16;
	s23 =	sadd.s32 s24, s18;
	[dreg:$0xb] =	wrdreg s20  }
0x12: {  	s3 =	sadd.s32 s24, s15;
	s1 =	sshrl.u32 s1, $0x3;
	[dreg:$0xc] =	wrdreg s23  }
0x13: {  	s30 =	sshrl.u32 s29, $0x3;
	[dreg:$0x9] =	wrdreg s3;
	s1 =	sadd.s32 s25, s1  }
0x14: {  	s3 =	simm.s32 @!p0 $0x1;
	[dreg:$0xa] =	wrdreg s1;
	s1 =	sadd.s32 s25, s30  }
0x15: {  	[dreg:$0xd] =	wrdreg s1;
	s1 =	sshrl.u32 @!p0 s2, $0x3;
	s2 =	simm.s32 @!p0 $0x1C01  }
0x16: {  	[spmem:s1], [sflag:s2] =	dma.local @!p0 [hbm:s5], $0xF800  }
0x17: {  	_ =	swait.ge @!p0 [sflag:s3], $0xF800  }
0x18: {  	s8 =	sshll.u32 s7, $0x6;
	[sflag:s3] =	ssyncset.done @!p0 $0x0  }
0x19: {  	s7 =	simm.s32 $0x1;
	s8 =	sor.u32 $0x1C01, s8;
	[sflag:s3] =	ssyncadd.s32 @!p0 $0xFFFF0800  }
0x1a: {  	s4 =	sshll.u32 s9, $0x16;
	s6 =	simm.s32 $0xF80;
	[bflag:$0x0] =	sbarrier.arrive $0xFFFF  }
0x1b: {  	s11 =	sor.u32 s28, s4;
	s4 =	simm.s32 $0x80;
	s9 =	rddreg [dreg:$0x6]  }
0x1c: {  	s5 =	simm.s32 $0x800;
	s12 =	rddreg [dreg:$0x5];
	s30 =	sshrl.u32 s9, $0x3  }
0x1d: {  	[hbm:s12@s5], [sflag:s8] =	dma.strided [spmem:s30@s6], $0x8000, s4, $0x10   }
0x1e: {  	_ =	swait.ge [sflag:s7], $0x8000  }
0x1f: {  	s31 =	sshrl.u32 s11, $0x3;
	s29 =	sadd.s32 $0x7FC00, s10;
	[sflag:s7] =	ssyncset.done $0x0  }
0x20: {  	s10 =	simm.s32 @p0 $0x1;
	s11 =	simm.s32 @p0 $0x800;
	[sflag:s7] =	ssyncadd.s32 $0xFFFF8000  }
0x21: {  	s13 =	sshrl.u32 @p0 s29, $0x3;
	s14 =	simm.s32 @p0 $0x80;
	[bflag:$0x0] =	sbarrier.arrive $0xFFFF  }
0x22: {  	s9 =	sadd.s32 s25, s31;
	s12 =	simm.s32 @p0 $0xF80;
	[bflag:$0x0] =	sbarrier.arrive @p0 $0xFFFF  }
0x23: {  	[hbm:s9@s11], [sflag:s8] =	dma.strided @p0 [spmem:s13@s12], $0x8000, s14, $0x10   }
0x24: {  	_ =	swait.ge @p0 [sflag:s10], $0x8000  }
0x25: {  	[sflag:s10] =	ssyncset.done @p0 $0x0  }
0x26: {  	[sflag:s10] =	ssyncadd.s32 @p0 $0xFFFF8000  }
0x27: {  	[bflag:$0x0] =	sbarrier.arrive @p0 $0xFFFF  }
0x28: {  	s15 =	rddreg [dreg:$0x7]  }
0x29: {  	s16 =	rddreg [dreg:$0x8];
	s31 =	sshrl.u32 @!p0 s15, $0x3  }
0x2a: {  	[spmem:s31], [sflag:s8] =	dma.local @!p0 [hbm:s16], $0xF800  }
0x2b: {  	_ =	swait.ge @!p0 [sflag:s3], $0xF800  }
0x2c: {  	[sflag:s3] =	ssyncset.done @!p0 $0x0  }
0x2d: {  	s18 =	simm.s32 @!p0 $0x80;
	s17 =	sshrl.u32 @!p0 s29, $0x3;
	[sflag:s3] =	ssyncadd.s32 @!p0 $0xFFFF0800  }
0x2e: {  	s15 =	simm.s32 @!p0 $0x800;
	s16 =	simm.s32 @!p0 $0xF80;
	[bflag:$0x0] =	sbarrier.arrive @!p0 $0xFFFF  }
0x2f: {  	[hbm:s9@s15], [sflag:s8] =	dma.strided @!p0 [spmem:s17@s16], $0x8000, s18, $0x10   }
0x30: {  	_ =	swait.ge @!p0 [sflag:s3], $0x8000  }
0x31: {  	[sflag:s3] =	ssyncset.done @!p0 $0x0  }
0x32: {  	[sflag:s3] =	ssyncadd.s32 @!p0 $0xFFFF8000  }
0x33: {  	[bflag:$0x0] =	sbarrier.arrive @!p0 $0xFFFF  }
0x34: {  	s20 =	rddreg [dreg:$0x9]  }
0x35: {  	[spmem:s1], [sflag:s8] =	dma.local @!p0 [hbm:s20], $0xF800  }
0x36: {  	_ =	swait.ge @!p0 [sflag:s3], $0xF800  }
0x37: {  	[sflag:s3] =	ssyncset.done @!p0 $0x0  }
0x38: {  	[sflag:s3] =	ssyncadd.s32 @!p0 $0xFFFF0800  }
0x39: {  	[bflag:$0x0] =	sbarrier.arrive $0xFFFF  }
0x3a: {  	s0 =	rddreg [dreg:$0xa]  }
0x3b: {  	[hbm:s0@s5], [sflag:s8] =	dma.strided [spmem:s30@s6], $0x8000, s4, $0x10   }
0x3c: {  	_ =	swait.ge [sflag:s7], $0x8000  }
0x3d: {  	s19 =	sshll.u32 s19, $0x16;
	[sflag:s7] =	ssyncset.done $0x0  }
0x3e: {  	s19 =	sor.u32 s28, s19;
	[sflag:s7] =	ssyncadd.s32 $0xFFFF8000  }
0x3f: {  	s19 =	sshrl.u32 s19, $0x3;
	[bflag:$0x0] =	sbarrier.arrive $0xFFFF  }
0x40: {  	s19 =	sadd.s32 s25, s19;
	[bflag:$0x0] =	sbarrier.arrive @p0 $0xFFFF  }
0x41: {  	[hbm:s19@s11], [sflag:s8] =	dma.strided @p0 [spmem:s13@s12], $0x8000, s14, $0x10   }
0x42: {  	_ =	swait.ge @p0 [sflag:s10], $0x8000  }
0x43: {  	[sflag:s10] =	ssyncset.done @p0 $0x0  }
0x44: {  	[sflag:s10] =	ssyncadd.s32 @p0 $0xFFFF8000  }
0x45: {  	[bflag:$0x0] =	sbarrier.arrive @p0 $0xFFFF  }
0x46: {  	s20 =	rddreg [dreg:$0xb]  }
0x47: {  	[spmem:s31], [sflag:s8] =	dma.local @!p0 [hbm:s20], $0xF800  }
0x48: {  	_ =	swait.ge @!p0 [sflag:s3], $0xF800  }
0x49: {  	[sflag:s3] =	ssyncset.done @!p0 $0x0  }
0x4a: {  	[sflag:s3] =	ssyncadd.s32 @!p0 $0xFFFF0800  }
0x4b: {  	[bflag:$0x0] =	sbarrier.arrive @!p0 $0xFFFF  }
0x4c: {  	[hbm:s19@s15], [sflag:s8] =	dma.strided @!p0 [spmem:s17@s16], $0x8000, s18, $0x10   }
0x4d: {  	_ =	swait.ge @!p0 [sflag:s3], $0x8000  }
0x4e: {  	[sflag:s3] =	ssyncset.done @!p0 $0x0  }
0x4f: {  	[sflag:s3] =	ssyncadd.s32 @!p0 $0xFFFF8000  }
0x50: {  	[bflag:$0x0] =	sbarrier.arrive @!p0 $0xFFFF  }
0x51: {  	s20 =	rddreg [dreg:$0xc]  }
0x52: {  	[spmem:s1], [sflag:s8] =	dma.local @!p0 [hbm:s20], $0xF800  }
0x53: {  	_ =	swait.ge @!p0 [sflag:s3], $0xF800  }
0x54: {  	[sflag:s3] =	ssyncset.done @!p0 $0x0  }
0x55: {  	[sflag:s3] =	ssyncadd.s32 @!p0 $0xFFFF0800  }
0x56: {  	[bflag:$0x0] =	sbarrier.arrive $0xFFFF  }
0x57: {  	s21 =	rddreg [dreg:$0xd]  }
0x58: {  	[hbm:s21@s5], [sflag:s8] =	dma.strided [spmem:s30@s6], $0x8000, s4, $0x10   }
0x59: {  	s21 =	sor.u32 $0x5, s22;
	_ =	swait.ge [sflag:s7], $0x8000  }
0x5a: {  	s23 =	sshll.u32 s21, $0x16;
	[sflag:s7] =	ssyncset.done $0x0  }
0x5b: {  	s20 =	sor.u32 s28, s23;
	[sflag:s7] =	ssyncadd.s32 $0xFFFF8000  }
0x5c: {  	s20 =	sshrl.u32 s20, $0x3;
	[bflag:$0x0] =	sbarrier.arrive $0xFFFF  }
0x5d: {  	s20 =	sadd.s32 s25, s20;
	[bflag:$0x0] =	sbarrier.arrive @p0 $0xFFFF  }
0x5e: {  	[hbm:s20@s11], [sflag:s8] =	dma.strided @p0 [spmem:s13@s12], $0x8000, s14, $0x10   }
0x5f: {  	_ =	swait.ge @p0 [sflag:s10], $0x8000  }
0x60: {  	s21 =	smul.u32 $0xF800, s21;
	[sflag:s10] =	ssyncset.done @p0 $0x0  }
0x61: {  	[sflag:s10] =	ssyncadd.s32 @p0 $0xFFFF8000  }
0x62: {  	s21 =	sadd.s32 s24, s21;
	[bflag:$0x0] =	sbarrier.arrive @p0 $0xFFFF  }
0x63: {  	[spmem:s31], [sflag:s8] =	dma.local @!p0 [hbm:s21], $0xF800  }
0x64: {  	_ =	swait.ge @!p0 [sflag:s3], $0xF800  }
0x65: {  	[sflag:s3] =	ssyncset.done @!p0 $0x0  }
0x66: {  	[sflag:s3] =	ssyncadd.s32 @!p0 $0xFFFF0800  }
0x67: {  	[bflag:$0x0] =	sbarrier.arrive @!p0 $0xFFFF  }
0x68: {  	[hbm:s20@s15], [sflag:s8] =	dma.strided @!p0 [spmem:s17@s16], $0x8000, s18, $0x10   }
0x69: {  	s23 =	sor.u32 $0x6, s22;
	_ =	swait.ge @!p0 [sflag:s3], $0x8000  }
0x6a: {  	s22 =	smul.u32 $0xF800, s23;
	[sflag:s3] =	ssyncset.done @!p0 $0x0  }
0x6b: {  	[sflag:s3] =	ssyncadd.s32 @!p0 $0xFFFF8000  }
0x6c: {  	s22 =	sadd.s32 s24, s22;
	[bflag:$0x0] =	sbarrier.arrive @!p0 $0xFFFF  }
0x6d: {  	[spmem:s1], [sflag:s8] =	dma.local @!p0 [hbm:s22], $0xF800  }
0x6e: {  	s23 =	sshll.u32 s23, $0x16;
	_ =	swait.ge @!p0 [sflag:s3], $0xF800  }
0x6f: {  	s23 =	sor.u32 s28, s23;
	[sflag:s3] =	ssyncset.done @!p0 $0x0  }
0x70: {  	s23 =	sshrl.u32 s23, $0x3;
	[sflag:s3] =	ssyncadd.s32 @!p0 $0xFFFF0800  }
0x71: {  	s23 =	sadd.s32 s25, s23;
	[bflag:$0x0] =	sbarrier.arrive $0xFFFF  }
0x72: {  	[hbm:s23@s5], [sflag:s8] =	dma.strided [spmem:s30@s6], $0x8000, s4, $0x10   }
0x73: {  	s30 =	sshllo.u32 s26, $0x3;
	_ =	swait.ge [sflag:s7], $0x8000  }
0x74: {  	s0 =	smul.u32 $0xF800, s30;
	[sflag:s7] =	ssyncset.done $0x0  }
0x75: {  	s26 =	ssub.s32 $0x2, s26;
	s30 =	sshll.u32 s30, $0x16;
	[sflag:s7] =	ssyncadd.s32 $0xFFFF8000  }
0x76: {  	s24 =	sadd.s32 s24, s0;
	s0 =	sor.u32 s28, s30;
	s28 =	sshrl.u32 s26, $0x1  }
0x77: {  	[bflag:$0x0] =	sbarrier.arrive $0xFFFF;
	s26 =	ssub.s32 s26, s28  }
0x78: {  	[spmem:s31], [sflag:s8] =	dma.local @!p0 [hbm:s24], $0xF800  }
0x79: {  	s31 =	smax.u32 s26, $0x1;
	_ =	swait.ge @!p0 [sflag:s3], $0xF800  }
0x7a: {  	s0 =	sshrl.u32 s0, $0x3;
	s28 =	sadd.s32 $0xFFFFFFFF, s31;
	[sflag:s3] =	ssyncset.done @!p0 $0x0  }
0x7b: {  	s25 =	sadd.s32 s25, s0;
	p1 =	sne.s32 s28, $0x0;
	[sflag:s3] =	ssyncadd.s32 @!p0 $0xFFFF0800  }
.Ltmp0:
0x7c: {  	s26 =	sshrl.u32 s29, $0x3;
	[bflag:$0x0] =	sbarrier.arrive $0xFFFF;
	(pc) =	sbr.rel @!p1 .LBB2_2-.Ltmp0, $4  }
0x7d: {  	[hbm:s25@s5], [sflag:s8] =	dma.strided [spmem:s26@s6], $0x8000, s4, $0x10   }
0x7e: {  	_ =	swait.ge [sflag:s7], $0x8000  }
0x7f: {  	[sflag:s7] =	ssyncset.done $0x0  }
0x80: {  	[sflag:s7] =	ssyncadd.s32 $0xFFFF8000  }
.LBB2_1:
0x81: {  	[bflag:$0x0] =	sbarrier.arrive $0xFFFF  }
0x82: {  	s0 =	rddreg [dreg:$0x4]  }
0x83: {  	[spmem:s1], [sflag:s2] =	dma.local @!p0 [hbm:s0], $0xF800  }
0x84: {  	_ =	swait.ge @!p0 [sflag:s3], $0xF800  }
0x85: {  	[sflag:s3] =	ssyncset.done @!p0 $0x0  }
0x86: {  	[sflag:s3] =	ssyncadd.s32 @!p0 $0xFFFF0800  }
0x87: {  	[bflag:$0x0] =	sbarrier.arrive $0xFFFF  }
0x88: {  	s29 =	rddreg [dreg:$0x6]  }
0x89: {  	s30 =	rddreg [dreg:$0x5];
	s29 =	sshrl.u32 s29, $0x3  }
0x8a: {  	[hbm:s30@s5], [sflag:s8] =	dma.strided [spmem:s29@s6], $0x8000, s4, $0x10   }
0x8b: {  	_ =	swait.ge [sflag:s7], $0x8000  }
0x8c: {  	[sflag:s7] =	ssyncset.done $0x0  }
0x8d: {  	[sflag:s7] =	ssyncadd.s32 $0xFFFF8000  }
0x8e: {  	[bflag:$0x0] =	sbarrier.arrive $0xFFFF  }
0x8f: {  	[bflag:$0x0] =	sbarrier.arrive @p0 $0xFFFF  }
0x90: {  	[hbm:s9@s11], [sflag:s8] =	dma.strided @p0 [spmem:s13@s12], $0x8000, s14, $0x10   }
0x91: {  	_ =	swait.ge @p0 [sflag:s10], $0x8000  }
0x92: {  	[sflag:s10] =	ssyncset.done @p0 $0x0  }
0x93: {  	[sflag:s10] =	ssyncadd.s32 @p0 $0xFFFF8000  }
0x94: {  	[bflag:$0x0] =	sbarrier.arrive @p0 $0xFFFF  }
0x95: {  	s0 =	rddreg [dreg:$0x7]  }
0x96: {  	s31 =	rddreg [dreg:$0x8];
	s30 =	sshrl.u32 @!p0 s0, $0x3  }
0x97: {  	[spmem:s30], [sflag:s8] =	dma.local @!p0 [hbm:s31], $0xF800  }
0x98: {  	_ =	swait.ge @!p0 [sflag:s3], $0xF800  }
0x99: {  	[sflag:s3] =	ssyncset.done @!p0 $0x0  }
0x9a: {  	[sflag:s3] =	ssyncadd.s32 @!p0 $0xFFFF0800  }
0x9b: {  	[bflag:$0x0] =	sbarrier.arrive @!p0 $0xFFFF  }
0x9c: {  	[hbm:s9@s15], [sflag:s8] =	dma.strided @!p0 [spmem:s17@s16], $0x8000, s18, $0x10   }
0x9d: {  	_ =	swait.ge @!p0 [sflag:s3], $0x8000  }
0x9e: {  	[sflag:s3] =	ssyncset.done @!p0 $0x0  }
0x9f: {  	[sflag:s3] =	ssyncadd.s32 @!p0 $0xFFFF8000  }
0xa0: {  	[bflag:$0x0] =	sbarrier.arrive @!p0 $0xFFFF  }
0xa1: {  	s0 =	rddreg [dreg:$0x9]  }
0xa2: {  	[spmem:s1], [sflag:s8] =	dma.local @!p0 [hbm:s0], $0xF800  }
0xa3: {  	_ =	swait.ge @!p0 [sflag:s3], $0xF800  }
0xa4: {  	[sflag:s3] =	ssyncset.done @!p0 $0x0  }
0xa5: {  	[sflag:s3] =	ssyncadd.s32 @!p0 $0xFFFF0800  }
0xa6: {  	[bflag:$0x0] =	sbarrier.arrive $0xFFFF  }
0xa7: {  	s31 =	rddreg [dreg:$0xa]  }
0xa8: {  	[hbm:s31@s5], [sflag:s8] =	dma.strided [spmem:s29@s6], $0x8000, s4, $0x10   }
0xa9: {  	_ =	swait.ge [sflag:s7], $0x8000  }
0xaa: {  	[sflag:s7] =	ssyncset.done $0x0  }
0xab: {  	[sflag:s7] =	ssyncadd.s32 $0xFFFF8000  }
0xac: {  	[bflag:$0x0] =	sbarrier.arrive $0xFFFF  }
0xad: {  	[bflag:$0x0] =	sbarrier.arrive @p0 $0xFFFF  }
0xae: {  	[hbm:s19@s11], [sflag:s8] =	dma.strided @p0 [spmem:s13@s12], $0x8000, s14, $0x10   }
0xaf: {  	_ =	swait.ge @p0 [sflag:s10], $0x8000  }
0xb0: {  	[sflag:s10] =	ssyncset.done @p0 $0x0  }
0xb1: {  	[sflag:s10] =	ssyncadd.s32 @p0 $0xFFFF8000  }
0xb2: {  	[bflag:$0x0] =	sbarrier.arrive @p0 $0xFFFF  }
0xb3: {  	s0 =	rddreg [dreg:$0xb]  }
0xb4: {  	[spmem:s30], [sflag:s8] =	dma.local @!p0 [hbm:s0], $0xF800  }
0xb5: {  	_ =	swait.ge @!p0 [sflag:s3], $0xF800  }
0xb6: {  	[sflag:s3] =	ssyncset.done @!p0 $0x0  }
0xb7: {  	[sflag:s3] =	ssyncadd.s32 @!p0 $0xFFFF0800  }
0xb8: {  	[bflag:$0x0] =	sbarrier.arrive @!p0 $0xFFFF  }
0xb9: {  	[hbm:s19@s15], [sflag:s8] =	dma.strided @!p0 [spmem:s17@s16], $0x8000, s18, $0x10   }
0xba: {  	_ =	swait.ge @!p0 [sflag:s3], $0x8000  }
0xbb: {  	[sflag:s3] =	ssyncset.done @!p0 $0x0  }
0xbc: {  	[sflag:s3] =	ssyncadd.s32 @!p0 $0xFFFF8000  }
0xbd: {  	[bflag:$0x0] =	sbarrier.arrive @!p0 $0xFFFF  }
0xbe: {  	s0 =	rddreg [dreg:$0xc]  }
0xbf: {  	[spmem:s1], [sflag:s8] =	dma.local @!p0 [hbm:s0], $0xF800  }
0xc0: {  	_ =	swait.ge @!p0 [sflag:s3], $0xF800  }
0xc1: {  	[sflag:s3] =	ssyncset.done @!p0 $0x0  }
0xc2: {  	[sflag:s3] =	ssyncadd.s32 @!p0 $0xFFFF0800  }
0xc3: {  	[bflag:$0x0] =	sbarrier.arrive $0xFFFF  }
0xc4: {  	s31 =	rddreg [dreg:$0xd]  }
0xc5: {  	[hbm:s31@s5], [sflag:s8] =	dma.strided [spmem:s29@s6], $0x8000, s4, $0x10   }
0xc6: {  	_ =	swait.ge [sflag:s7], $0x8000  }
0xc7: {  	[sflag:s7] =	ssyncset.done $0x0  }
0xc8: {  	[sflag:s7] =	ssyncadd.s32 $0xFFFF8000  }
0xc9: {  	[bflag:$0x0] =	sbarrier.arrive $0xFFFF  }
0xca: {  	[bflag:$0x0] =	sbarrier.arrive @p0 $0xFFFF  }
0xcb: {  	[hbm:s20@s11], [sflag:s8] =	dma.strided @p0 [spmem:s13@s12], $0x8000, s14, $0x10   }
0xcc: {  	_ =	swait.ge @p0 [sflag:s10], $0x8000  }
0xcd: {  	[sflag:s10] =	ssyncset.done @p0 $0x0  }
0xce: {  	[sflag:s10] =	ssyncadd.s32 @p0 $0xFFFF8000  }
0xcf: {  	[bflag:$0x0] =	sbarrier.arrive @p0 $0xFFFF  }
0xd0: {  	[spmem:s30], [sflag:s8] =	dma.local @!p0 [hbm:s21], $0xF800  }
0xd1: {  	_ =	swait.ge @!p0 [sflag:s3], $0xF800  }
0xd2: {  	[sflag:s3] =	ssyncset.done @!p0 $0x0  }
0xd3: {  	[sflag:s3] =	ssyncadd.s32 @!p0 $0xFFFF0800  }
0xd4: {  	[bflag:$0x0] =	sbarrier.arrive @!p0 $0xFFFF  }
0xd5: {  	[hbm:s20@s15], [sflag:s8] =	dma.strided @!p0 [spmem:s17@s16], $0x8000, s18, $0x10   }
0xd6: {  	_ =	swait.ge @!p0 [sflag:s3], $0x8000  }
0xd7: {  	[sflag:s3] =	ssyncset.done @!p0 $0x0  }
0xd8: {  	[sflag:s3] =	ssyncadd.s32 @!p0 $0xFFFF8000  }
0xd9: {  	[bflag:$0x0] =	sbarrier.arrive @!p0 $0xFFFF  }
0xda: {  	[spmem:s1], [sflag:s8] =	dma.local @!p0 [hbm:s22], $0xF800  }
0xdb: {  	_ =	swait.ge @!p0 [sflag:s3], $0xF800  }
0xdc: {  	[sflag:s3] =	ssyncset.done @!p0 $0x0  }
0xdd: {  	[sflag:s3] =	ssyncadd.s32 @!p0 $0xFFFF0800  }
0xde: {  	[bflag:$0x0] =	sbarrier.arrive $0xFFFF  }
0xdf: {  	[hbm:s23@s5], [sflag:s8] =	dma.strided [spmem:s29@s6], $0x8000, s4, $0x10   }
0xe0: {  	_ =	swait.ge [sflag:s7], $0x8000  }
0xe1: {  	[sflag:s7] =	ssyncset.done $0x0  }
0xe2: {  	[sflag:s7] =	ssyncadd.s32 $0xFFFF8000  }
0xe3: {  	[bflag:$0x0] =	sbarrier.arrive $0xFFFF  }
0xe4: {  	[spmem:s30], [sflag:s8] =	dma.local @!p0 [hbm:s24], $0xF800  }
0xe5: {  	_ =	swait.ge @!p0 [sflag:s3], $0xF800  }
0xe6: {  	s28 =	sadd.s32 $0xFFFFFFFF, s28;
	[sflag:s3] =	ssyncset.done @!p0 $0x0  }
0xe7: {  	p1 =	sne.s32 s28, $0x0;
	[sflag:s3] =	ssyncadd.s32 @!p0 $0xFFFF0800  }
.Ltmp1:
0xe8: {  	[bflag:$0x0] =	sbarrier.arrive $0xFFFF;
	(pc) =	sbr.rel @p1 .LBB2_1-.Ltmp1, $4  }
0xe9: {  	[hbm:s25@s5], [sflag:s8] =	dma.strided [spmem:s26@s6], $0x8000, s4, $0x10   }
0xea: {  	_ =	swait.ge [sflag:s7], $0x8000  }
0xeb: {  	[sflag:s7] =	ssyncset.done $0x0  }
0xec: {  	[sflag:s7] =	ssyncadd.s32 $0xFFFF8000  }
.LBB2_2:
0xed: {  	[bflag:$0x0] =	sbarrier.arrive $0xFFFF  }
0xee: {  	_ =	sfence.sel $0x180000  }
0xef: {  	[bflag:$0x0] =	sbarrier.arrive $0xFFFF  }
0xf0: {  	_ =	strace $0x90000047  }
0xf1: {  	[bflag:$0x2] =	sbarrier.arrive $0xFFFF  }
0xf2: {  	s0 =	rddreg [dreg:$0x3]  }
0xf3: {  	s0 =	sadd.s32 @!p0 $0x100000, s0  }
0xf4: {  	[sflag:s0] =	ssyncadd.tile.s32 @!p0 $0x1;
	_ =	shalt  }
.Lfunc_end2:
_tile_overlayer_lowered:
.L_overlay_start_2:
0xf5: {  	(tag) =	ssettag $0x2  }
0xf6: {  	s0 =	rddreg [dreg:$0x0];
	s2 =	stileid.u32  }
0xf7: {  	s1 =	rddreg [dreg:$0x1];
	p0 =	sne.s32 s2, $0x0  }
0xf8: {  	s3 =	rddreg [dreg:$0x2];
	[bflag:$0x3] =	sbarrier.arrive $0xFFFF;
	s2 =	simm.s32 @!p0 $0x1C01  }
0xf9: {  	[timem:s3], [sflag:s2] =	dma.local @!p0 [hbm:s0], s1  }
0xfa: {  	s0 =	simm.s32 @!p0 $0x1  }
0xfb: {  	_ =	swait.ge @!p0 [sflag:s0], s1  }
0xfc: {  	s1 =	ssub.s32 @!p0 $0x0, s1;
	[sflag:s0] =	ssyncset.done @!p0 $0x0  }
0xfd: {  	[sflag:s0] =	ssyncadd.s32 @!p0 s1  }
0xfe: {  	[bflag:$0x3] =	sbarrier.arrive $0xFFFF  }
0xff: {  	_ =	shalt  }

</sc_bundles>
